<compile_context>
chip_gen: v7x
topology: tpu7x:2x2x1
jax: 0.10.2.dev20260603
libtpu: 0.0.44.dev20260713+nightly
codegen_flags: <defaults>
</compile_context>

<pallas_src>
import functools

import numpy as np
import jax
import jax.numpy as jnp
from jax import lax
from jax.experimental import pallas as pl
from jax.experimental.pallas import tpu as pltpu
from jax.experimental.pallas import tpu_sc as plsc

_B = 128
_C = 128
_D = _C * 7 * 7
_K = 64
_NCLS = 60
_NB = 32
_NBD = 16
_F32 = jnp.float32


def _up_coef(n_in, n_out):
    coords = (np.arange(n_out, dtype=np.float32) * np.float32(n_in - 1)
              ) / np.float32(n_out - 1)
    i0 = np.floor(coords).astype(np.int32)
    i1 = np.minimum(i0 + 1, n_in - 1)
    frac = (coords - i0.astype(np.float32)).astype(np.float32)
    return [(int(a), int(b), float(f)) for a, b, f in zip(i0, i1, frac)]


_UP14 = _up_coef(7, 14)
_UP24 = _up_coef(12, 24)



def _enc_body(p_ref, w0_ref, b0_ref, w1_ref, b1_ref, out_ref):
    nb = _NB
    p = p_ref[...]
    h = jnp.dot(p, w0_ref[...], preferred_element_type=_F32) + b0_ref[...]
    h = jnp.maximum(h, 0.0)
    h4 = h.reshape(nb, 14, 16, _C)
    hv = h4[:, :, 0:14, :]
    hp = jnp.concatenate(
        [jnp.zeros((nb, 14, 1, _C), _F32), hv, jnp.zeros((nb, 14, 3, _C), _F32)],
        axis=2)
    zr = jnp.zeros((nb, 1, 18, _C), _F32)
    hp = jnp.concatenate([zr, hp, zr], axis=1)
    acc = jnp.zeros((nb * 56, _C), _F32)
    for t in range(9):
        dy, dx = t // 3, t % 3
        rt = jnp.concatenate(
            [hp[:, 2 * i + dy: 2 * i + dy + 1, :, :] for i in range(7)], axis=1)
        ct = jnp.concatenate(
            [rt[:, :, 2 * j + dx: 2 * j + dx + 1, :] for j in range(7)]
            + [rt[:, :, 0:1, :]], axis=2)
        acc = acc + jnp.dot(ct.reshape(nb * 56, _C), w1_ref[t],
                            preferred_element_type=_F32)
    out_ref[...] = acc + b1_ref[...]


def _run_encoder(p2d, w0r, b0r, w1r, b1r):
    return pl.pallas_call(
        _enc_body,
        grid=(_B // _NB,),
        in_specs=[
            pl.BlockSpec((_NB * 224, 9), lambda nb: (nb, 0)),
            pl.BlockSpec((9, _C), lambda nb: (0, 0)),
            pl.BlockSpec((1, _C), lambda nb: (0, 0)),
            pl.BlockSpec((9, _C, _C), lambda nb: (0, 0, 0)),
            pl.BlockSpec((1, _C), lambda nb: (0, 0)),
        ],
        out_specs=pl.BlockSpec((_NB * 56, _C), lambda nb: (nb, 0)),
        out_shape=jax.ShapeDtypeStruct((_B * 56, _C), _F32),
    )(p2d, w0r, b0r, w1r, b1r)



_VQR = 256


def _vq_body(cs_ref, emb_ref, zt_ref, idx_ref, bestv, besti):
    k = pl.program_id(0)
    e = emb_ref[...]
    esq = jnp.sum(e * e, axis=1, keepdims=True)
    s = esq - 2.0 * jnp.dot(e, zt_ref[...], preferred_element_type=_F32)
    rid = lax.broadcasted_iota(jnp.int32, (_VQR, _B), 0)
    valid = (k * (_VQR // _K) + rid // _K) == cs_ref[...]
    s = jnp.where(valid, s, jnp.float32(jnp.inf))
    m = jnp.min(s, axis=0, keepdims=True)
    li = jnp.min(jnp.where(s == m, rid, _VQR), axis=0, keepdims=True)
    gi = k * _VQR + li

    @pl.when(k == 0)
    def _():
        bestv[...] = jnp.full((1, _B), jnp.inf, _F32)
        besti[...] = jnp.zeros((1, _B), jnp.int32)

    prev = bestv[...]
    upd = m < prev
    bestv[...] = jnp.where(upd, m, prev)
    besti[...] = jnp.where(upd, gi, besti[...])

    @pl.when(k == pl.num_programs(0) - 1)
    def _():
        idx_ref[...] = besti[...]


def _run_vq(cs_row, emb, z_st):
    return pl.pallas_call(
        _vq_body,
        grid=(_NCLS * _K // _VQR,),
        in_specs=[
            pl.BlockSpec((1, _B), lambda k: (0, 0)),
            pl.BlockSpec((_VQR, _D), lambda k: (k, 0)),
            pl.BlockSpec((_D, _B), lambda k: (0, 0)),
        ],
        out_specs=pl.BlockSpec((1, _B), lambda k: (0, 0)),
        out_shape=jax.ShapeDtypeStruct((1, _B), jnp.int32),
        scratch_shapes=[pltpu.VMEM((1, _B), _F32), pltpu.VMEM((1, _B), jnp.int32)],
    )(cs_row, emb, z_st)



def _sc_gather(table, idx):
    rows_per_w = 8
    mesh = plsc.VectorSubcoreMesh(core_axis_name="c", subcore_axis_name="s")

    @functools.partial(
        pl.kernel, mesh=mesh,
        out_type=jax.ShapeDtypeStruct((_B, _D), _F32),
        scratch_types=[
            pltpu.VMEM((rows_per_w,), jnp.int32),
            pltpu.VMEM((rows_per_w, _D), _F32),
            pltpu.SemaphoreType.DMA,
        ],
    )
    def k(table_hbm, idx_hbm, out_hbm, idx_v, rows_v, sem):
        wid = lax.axis_index("s") * 2 + lax.axis_index("c")

        @pl.when(wid < _B // rows_per_w)
        def _():
            base = wid * rows_per_w
            pltpu.sync_copy(idx_hbm.at[pl.ds(base, rows_per_w)], idx_v)
            pltpu.async_copy(table_hbm.at[idx_v], rows_v, sem).wait()
            pltpu.sync_copy(rows_v, out_hbm.at[pl.ds(base, rows_per_w)])

    return k(table, idx)



def _dec_body(x_ref, wd0_ref, bd0_ref, wd1_ref, bd1_ref, wo_ref, bo_ref,
              out_ref):
    nb = _NBD
    bf16 = jnp.bfloat16
    x = x_ref[...].astype(bf16)
    cols = [x[:, :, a:a + 1] * bf16(1.0 - f) + x[:, :, b:b + 1] * bf16(f)
            for a, b, f in _UP14]
    u = jnp.concatenate(cols + [jnp.zeros((nb, 7, 4, _C), bf16)], axis=2)
    rows = [u[:, a:a + 1] * bf16(1.0 - f) + u[:, b:b + 1] * bf16(f)
            for a, b, f in _UP14]
    ub = jnp.concatenate(rows, axis=1)
    col0 = jnp.concatenate(
        [ub[:, t // 3:t // 3 + 12, t % 3:t % 3 + 16, :] for t in range(9)],
        axis=3).reshape(nb * 192, 9 * _C)
    acc = jnp.dot(col0, wd0_ref[...], preferred_element_type=_F32)
    y = (jnp.maximum(acc + bd0_ref[...], 0.0).astype(bf16)
         .reshape(nb, 12, 16, _C)[:, :, 0:12, :])
    zc = jnp.zeros((nb, 12, 1, _C), bf16)
    cols = [y[:, :, a:a + 1] * bf16(1.0 - f) + y[:, :, b:b + 1] * bf16(f)
            for a, b, f in _UP24]
    v = jnp.concatenate([zc] + cols + [zc], axis=2)
    zr = jnp.zeros((nb, 1, 26, _C), bf16)
    rows = [v[:, a:a + 1] * bf16(1.0 - f) + v[:, b:b + 1] * bf16(f)
            for a, b, f in _UP24]
    vb = jnp.concatenate([zr] + rows + [zr], axis=1)
    col1 = jnp.concatenate(
        [vb[:, t // 3:t // 3 + 24, t % 3:t % 3 + 24, :] for t in range(9)],
        axis=3).reshape(nb * 576, 9 * _C)
    acc = jnp.dot(col1, wd1_ref[...], preferred_element_type=_F32)
    y1 = jnp.maximum(acc + bd1_ref[...], 0.0)
    tmat = jnp.dot(y1, wo_ref[...], preferred_element_type=_F32)
    t4 = tmat.reshape(nb, 24, 24, 9)
    zc2 = jnp.zeros((nb, 24, 1, 9), _F32)
    tp = jnp.concatenate([zc2, t4, zc2], axis=2)
    zr2 = jnp.zeros((nb, 1, 26, 9), _F32)
    tp = jnp.concatenate([zr2, tp, zr2], axis=1)
    acc2 = jnp.zeros((nb, 24, 24, 1), _F32)
    for t in range(9):
        dy, dx = t // 3, t % 3
        acc2 = acc2 + tp[:, dy:dy + 24, dx:dx + 24, t:t + 1]
    out_ref[...] = jax.nn.sigmoid(acc2.reshape(nb * 576, 1) + bo_ref[...])


def _run_decoder(codes_hwc, wd0r, bd0r, wd1r, bd1r, wor, bor):
    return pl.pallas_call(
        _dec_body,
        grid=(_B // _NBD,),
        in_specs=[
            pl.BlockSpec((_NBD, 7, 7, _C), lambda nb: (nb, 0, 0, 0)),
            pl.BlockSpec((9 * _C, _C), lambda nb: (0, 0)),
            pl.BlockSpec((1, _C), lambda nb: (0, 0)),
            pl.BlockSpec((9 * _C, _C), lambda nb: (0, 0)),
            pl.BlockSpec((1, _C), lambda nb: (0, 0)),
            pl.BlockSpec((_C, 9), lambda nb: (0, 0)),
            pl.BlockSpec((1, 1), lambda nb: (0, 0)),
        ],
        out_specs=pl.BlockSpec((_NBD * 576, 1), lambda nb: (nb, 0)),
        out_shape=jax.ShapeDtypeStruct((_B * 576, 1), _F32),
    )(codes_hwc, wd0r, bd0r, wd1r, bd1r, wor, bor)



def kernel(x, c, w_e0, b_e0, w_e1, b_e1, w_d0, b_d0, w_d1, b_d1, w_o, b_o, emb):
    xs = x[:, 0]
    xp = jnp.pad(xs, ((0, 0), (1, 1), (1, 1)))
    patches = jnp.stack(
        [xp[:, dy:dy + 28:2, dx:dx + 28:2] for dy in range(3) for dx in range(3)],
        axis=-1)
    p2d = jnp.pad(patches, ((0, 0), (0, 0), (0, 2), (0, 0))).reshape(_B * 224, 9)
    w0r = w_e0.reshape(_C, 9).T
    b0r = b_e0.reshape(1, _C)
    w1r = jnp.transpose(w_e1, (2, 3, 1, 0)).reshape(9, _C, _C)
    b1r = b_e1.reshape(1, _C)
    z2d = _run_encoder(p2d, w0r, b0r, w1r, b1r)
    z_hwc = z2d.reshape(_B, 7, 8, _C)[:, :, :7, :]
    z_flat = jnp.transpose(z_hwc, (0, 3, 1, 2)).reshape(_B, _D)
    z_e_x = z_flat[:, :, None, None]

    order = jnp.argsort(c)
    idx_row = _run_vq(c.astype(jnp.int32).reshape(1, _B), emb, z_flat.T)
    idx = idx_row.reshape(_B)[order]

    codes = _sc_gather(emb, idx)
    z_q_x_bar = codes[:, :, None, None]

    codes_hwc = jnp.transpose(codes.reshape(_B, _C, 7, 7), (0, 2, 3, 1))
    wd0r = jnp.transpose(w_d0, (2, 3, 1, 0)).reshape(9 * _C, _C).astype(jnp.bfloat16)
    bd0r = b_d0.reshape(1, _C)
    wd1r = jnp.transpose(w_d1, (2, 3, 1, 0)).reshape(9 * _C, _C).astype(jnp.bfloat16)
    bd1r = b_d1.reshape(1, _C)
    wor = w_o.reshape(_C, 9)
    bor = b_o.reshape(1, 1)
    out2d = _run_decoder(codes_hwc, wd0r, bd0r, wd1r, bd1r, wor, bor)
    x_tilde = out2d.reshape(_B, 24, 24)[:, None, :, :]
    return (x_tilde, z_e_x, z_q_x_bar)

# --- scband reference (transcript-rebuilt; emitter-appended) ---
"""Pipeline reference for scband-c2-vq-recon-net-48885317763881 (READ-ONLY COPY).

The authoritative reference and input builder live on the scoring server;
editing this copy changes nothing except your own understanding.
"""

import jax, jax.numpy as jnp
import numpy as np
from jax import lax

K = 64
NUM_CLASSES = 60
CONV_DIMS = 128
B = 128
D = CONV_DIMS * 7 * 7


def conv2d(x, w, b, stride, pad):
    out = lax.conv_general_dilated(x, w, (stride, stride), ((pad, pad), (pad, pad)),
                                   dimension_numbers=('NCHW', 'OIHW', 'NCHW'))
    return out + b[None, :, None, None]


def upsample2x_align(x):
    # F.interpolate(scale_factor=2, mode='bilinear', align_corners=True)
    Bn, C, H, W = x.shape
    Ho, Wo = 2 * H, 2 * W

    def axis(n_in, n_out):
        coords = jnp.arange(n_out, dtype=jnp.float32) * (n_in - 1) / (n_out - 1)
        i0 = jnp.floor(coords).astype(jnp.int32)
        i1 = jnp.minimum(i0 + 1, n_in - 1)
        frac = coords - i0.astype(jnp.float32)
        return i0, i1, frac

    y0, y1, wy = axis(H, Ho)
    x0, x1, wx = axis(W, Wo)
    r0 = x[:, :, y0, :]
    r1 = x[:, :, y1, :]
    top = r0[:, :, :, x0] * (1.0 - wx)[None, None, None, :] + r0[:, :, :, x1] * wx[None, None, None, :]
    bot = r1[:, :, :, x0] * (1.0 - wx)[None, None, None, :] + r1[:, :, :, x1] * wx[None, None, None, :]
    return top * (1.0 - wy)[None, None, :, None] + bot * wy[None, None, :, None]


def setup_inputs(seed: int = 0) -> dict:
    key = jax.random.key(seed)
    ks = [jax.random.fold_in(key, i) for i in range(16)]
    x = jax.random.uniform(ks[0], (B, 1, 28, 28), dtype=jnp.float32)
    c = jax.random.randint(ks[1], (B,), 0, NUM_CLASSES)
    w_e0 = jax.random.normal(ks[2], (CONV_DIMS, 1, 3, 3), dtype=jnp.float32) * 0.05
    b_e0 = jnp.zeros((CONV_DIMS,), dtype=jnp.float32)
    w_e1 = jax.random.normal(ks[3], (CONV_DIMS, CONV_DIMS, 3, 3), dtype=jnp.float32) * 0.05
    b_e1 = jnp.zeros((CONV_DIMS,), dtype=jnp.float32)
    w_d0 = jax.random.normal(ks[4], (CONV_DIMS, CONV_DIMS, 3, 3), dtype=jnp.float32) * 0.05
    b_d0 = jnp.zeros((CONV_DIMS,), dtype=jnp.float32)
    w_d1 = jax.random.normal(ks[5], (CONV_DIMS, CONV_DIMS, 3, 3), dtype=jnp.float32) * 0.05
    b_d1 = jnp.zeros((CONV_DIMS,), dtype=jnp.float32)
    w_o = jax.random.normal(ks[6], (1, CONV_DIMS, 3, 3), dtype=jnp.float32) * 0.05
    b_o = jnp.zeros((1,), dtype=jnp.float32)
    emb = jax.random.normal(ks[7], (NUM_CLASSES * K, D), dtype=jnp.float32) * 0.02
    return {"x": x, "c": c, "w_e0": w_e0, "b_e0": b_e0, "w_e1": w_e1, "b_e1": b_e1,
            "w_d0": w_d0, "b_d0": b_d0, "w_d1": w_d1, "b_d1": b_d1,
            "w_o": w_o, "b_o": b_o, "emb": emb}


def reference(x, c, w_e0, b_e0, w_e1, b_e1, w_d0, b_d0, w_d1, b_d1, w_o, b_o, emb):
    # encoder: stride-2 convs 28 -> 14 -> 7 (last layer no activation)
    h = jax.nn.relu(conv2d(x, w_e0, b_e0, 2, 1))
    h = conv2d(h, w_e1, b_e1, 2, 1)
    z_e_flat = h.reshape(h.shape[0], -1)                       # [B, D]
    z_e_x = z_e_flat[:, :, None, None]                         # [B, D, 1, 1]
    # class-conditional VQ straight-through; torch loop concatenates samples
    # stably sorted by class label, which we replicate with a stable argsort.
    order = jnp.argsort(c)                                     # stable
    z_s = z_e_flat[order]
    c_s = c[order]
    d2 = (jnp.sum(z_s * z_s, axis=1, keepdims=True)
          - 2.0 * (z_s @ emb.T)
          + jnp.sum(emb * emb, axis=1)[None, :])               # [B, C*K]
    code_class = jnp.arange(emb.shape[0]) // K
    valid = code_class[None, :] == c_s[:, None]
    d2 = jnp.where(valid, d2, jnp.inf)
    idx = jnp.argmin(d2, axis=1)                               # absolute code index
    codes = jnp.take(emb, idx, axis=0)                         # [B, D]
    z_q_st = z_s + lax.stop_gradient(codes - z_s)              # straight-through (detached codebook)
    z_q_x_bar = codes[:, :, None, None]                        # grads flow to codebook
    # decoder on straight-through codes (in class-sorted order, as in torch)
    dec = z_q_st.reshape(-1, CONV_DIMS, 7, 7)
    dec = jax.nn.relu(conv2d(upsample2x_align(dec), w_d0, b_d0, 1, 0))  # 14 -> 12
    dec = jax.nn.relu(conv2d(upsample2x_align(dec), w_d1, b_d1, 1, 1))  # 24 -> 24
    x_tilde = jax.nn.sigmoid(conv2d(dec, w_o, b_o, 1, 1))
    return (x_tilde, z_e_x, z_q_x_bar)

if __name__ == "__main__":
    import jax
    _d = setup_inputs()
    print(jax.jit(kernel)(*tuple(_d.values())))

</pallas_src>

<mosaic_0001>
#map = affine_map<(d0, d1) -> (0, 0)>
#map1 = affine_map<(d0, d1) -> (0)>
module attributes {stable_mosaic.version = 14 : i64} {
  func.func @k(%arg0: i32, %arg1: i32, %arg2: memref<3840x6272xf32, #tpu.memory_space<hbm>>, %arg3: memref<128xi32, #tpu.memory_space<hbm>>, %arg4: memref<128x6272xf32, #tpu.memory_space<hbm>>, %arg5: memref<8xi32, #tpu.memory_space<vmem>>, %arg6: memref<8x6272xf32, #tpu.memory_space<vmem>>, %arg7: memref<!tpu.dma_semaphore, #tpu.memory_space<semaphore_mem>>) attributes {dimension_semantics = [#tpu.dimension_semantics<core_parallel>, #tpu.dimension_semantics<subcore_parallel>], iteration_bounds = array<i64: 2, 16>, scalar_prefetch = 0 : i64, scratch_operands = 3 : i64, tpu.core_type = #tpu.core_type<sc_vector_subcore>, window_params = [{transform_indices = #map}, {transform_indices = #map1}, {transform_indices = #map}]} {
    %mul3A = arith.constant 2 : i32
    %mul3A_0 = arith.muli %arg1, %mul3A : i32
    %add3A = arith.addi %mul3A_0, %arg0 : i32
    %lt3A = arith.constant 16 : i32
    %lt3A_1 = arith.cmpi slt, %add3A, %lt3A : i32
    %convert_element_type3A = arith.extui %lt3A_1 : i1 to i32
    %cond3A = arith.constant 0 : i32
    %cond3A_2 = arith.cmpi ne, %convert_element_type3A, %cond3A : i32
    scf.if %cond3A_2 {
      %mul3A_3 = arith.constant 8 : i32
      %mul3A_4 = arith.muli %add3A, %mul3A_3 : i32
      "tpu.region"() ({
        %run_scoped3A = tpu.sem_alloc : memref<!tpu.dma_semaphore, #tpu.memory_space<semaphore_mem>>
        %dma_start3A_9 = tpu.memref_slice %arg3[%mul3A_4] : memref<128xi32, #tpu.memory_space<hbm>> -> memref<8xi32, #tpu.memory_space<hbm>>
        %dma_start3A_10 = tpu.memref_slice %arg3[%mul3A_4] : memref<128xi32, #tpu.memory_space<hbm>> -> memref<8xi32, #tpu.memory_space<hbm>>
        tpu.enqueue_dma source(%dma_start3A_10 : memref<8xi32, #tpu.memory_space<hbm>>) target(%arg5 : memref<8xi32, #tpu.memory_space<vmem>>) target_semaphore(%run_scoped3A : memref<!tpu.dma_semaphore, #tpu.memory_space<semaphore_mem>>)
        %dma_wait3A_11 = tpu.memref_slice %arg3[%mul3A_4] : memref<128xi32, #tpu.memory_space<hbm>> -> memref<8xi32, #tpu.memory_space<hbm>>
        %dma_wait3A_12 = tpu.memref_slice %arg3[%mul3A_4] : memref<128xi32, #tpu.memory_space<hbm>> -> memref<8xi32, #tpu.memory_space<hbm>>
        tpu.wait_dma2 semaphore(%run_scoped3A : memref<!tpu.dma_semaphore, #tpu.memory_space<semaphore_mem>>) src(%dma_wait3A_12 : memref<8xi32, #tpu.memory_space<hbm>>) dst(%arg5 : memref<8xi32, #tpu.memory_space<vmem>>)
        tpu.yield
      }) : () -> ()
      %dma_start3A = arith.constant 0 : i32
      %dma_start3A_5 = arith.constant 0 : i32
      %dma_start3A_6 = tpu.memref_slice %arg2[%dma_start3A, %dma_start3A_5] : memref<3840x6272xf32, #tpu.memory_space<hbm>> -> memref<3840x6272xf32, #tpu.memory_space<hbm>>
      tpu.enqueue_indirect_dma source(%dma_start3A_6 : memref<3840x6272xf32, #tpu.memory_space<hbm>>) target(%arg6 : memref<8x6272xf32, #tpu.memory_space<vmem>>) offsets(%arg5 : memref<8xi32, #tpu.memory_space<vmem>>) semaphore(%arg7 : memref<!tpu.dma_semaphore, #tpu.memory_space<semaphore_mem>>)
      %dma_wait3A = arith.constant 0 : i32
      %dma_wait3A_7 = arith.constant 0 : i32
      %dma_wait3A_8 = tpu.memref_slice %arg2[%dma_wait3A, %dma_wait3A_7] : memref<3840x6272xf32, #tpu.memory_space<hbm>> -> memref<3840x6272xf32, #tpu.memory_space<hbm>>
      tpu.wait_indirect_dma semaphore(%arg7 : memref<!tpu.dma_semaphore, #tpu.memory_space<semaphore_mem>>) src(%dma_wait3A_8 : memref<3840x6272xf32, #tpu.memory_space<hbm>>) dst(%arg6 : memref<8x6272xf32, #tpu.memory_space<vmem>>)
      "tpu.region"() ({
        %run_scoped3A = tpu.sem_alloc : memref<!tpu.dma_semaphore, #tpu.memory_space<semaphore_mem>>
        %dma_start3A_9 = arith.constant 0 : i32
        %dma_start3A_10 = tpu.memref_slice %arg4[%mul3A_4, %dma_start3A_9] : memref<128x6272xf32, #tpu.memory_space<hbm>> -> memref<8x6272xf32, #tpu.memory_space<hbm>>
        %dma_start3A_11 = arith.constant 0 : i32
        %dma_start3A_12 = tpu.memref_slice %arg4[%mul3A_4, %dma_start3A_11] : memref<128x6272xf32, #tpu.memory_space<hbm>> -> memref<8x6272xf32, #tpu.memory_space<hbm>>
        tpu.enqueue_dma source(%arg6 : memref<8x6272xf32, #tpu.memory_space<vmem>>) target(%dma_start3A_12 : memref<8x6272xf32, #tpu.memory_space<hbm>>) target_semaphore(%run_scoped3A : memref<!tpu.dma_semaphore, #tpu.memory_space<semaphore_mem>>)
        %dma_wait3A_13 = arith.constant 0 : i32
        %dma_wait3A_14 = tpu.memref_slice %arg4[%mul3A_4, %dma_wait3A_13] : memref<128x6272xf32, #tpu.memory_space<hbm>> -> memref<8x6272xf32, #tpu.memory_space<hbm>>
        %dma_wait3A_15 = arith.constant 0 : i32
        %dma_wait3A_16 = tpu.memref_slice %arg4[%mul3A_4, %dma_wait3A_15] : memref<128x6272xf32, #tpu.memory_space<hbm>> -> memref<8x6272xf32, #tpu.memory_space<hbm>>
        tpu.wait_dma2 semaphore(%run_scoped3A : memref<!tpu.dma_semaphore, #tpu.memory_space<semaphore_mem>>) src(%arg6 : memref<8x6272xf32, #tpu.memory_space<vmem>>) dst(%dma_wait3A_16 : memref<8x6272xf32, #tpu.memory_space<hbm>>)
        tpu.yield
      }) : () -> ()
    } else {
    }
    return
  }
}

module attributes {stable_mosaic.version = 14 : i64} {
  func.func @_enc_body(%arg0: i32, %arg1: memref<7168x9xf32, #tpu.memory_space<vmem>>, %arg2: memref<9x128xf32, #tpu.memory_space<vmem>>, %arg3: memref<1x128xf32, #tpu.memory_space<vmem>>, %arg4: memref<9x128x128xf32, #tpu.memory_space<vmem>>, %arg5: memref<1x128xf32, #tpu.memory_space<vmem>>, %arg6: memref<1792x128xf32, #tpu.memory_space<vmem>>) attributes {dimension_semantics = [#tpu.dimension_semantics<arbitrary>], iteration_bounds = array<i64: 4>, scalar_prefetch = 0 : i64, scratch_operands = 0 : i64, tpu.core_type = #tpu.core_type<tc>, window_params = [{transform_indices = @transform_0, window_bounds = array<i64: 7168, 9>}, {pipeline_mode = #tpu.pipeline_mode<synchronous>, transform_indices = @transform_1, window_bounds = array<i64: 9, 128>}, {pipeline_mode = #tpu.pipeline_mode<synchronous>, transform_indices = @transform_2, window_bounds = array<i64: 1, 128>}, {pipeline_mode = #tpu.pipeline_mode<synchronous>, transform_indices = @transform_3, window_bounds = array<i64: 9, 128, 128>}, {pipeline_mode = #tpu.pipeline_mode<synchronous>, transform_indices = @transform_4, window_bounds = array<i64: 1, 128>}, {transform_indices = @transform_5, window_bounds = array<i64: 1792, 128>}]} {
    %get3A = arith.constant 0 : index
    %get3A_0 = arith.constant 0 : index
    %get3A_1 = vector.load %arg1[%get3A, %get3A_0] : memref<7168x9xf32, #tpu.memory_space<vmem>>, vector<7168x9xf32>
    %get3A_2 = arith.constant 0 : index
    %get3A_3 = arith.constant 0 : index
    %get3A_4 = vector.load %arg2[%get3A_2, %get3A_3] : memref<9x128xf32, #tpu.memory_space<vmem>>, vector<9x128xf32>
    %dot_general3A = arith.constant dense<0.000000e+00> : vector<7168x128xf32>
    %dot_general3A_5 = tpu.matmul %get3A_1, %get3A_4, %dot_general3A {dimension_numbers = #tpu.dot_dimension_numbers<[1], [0], [0], [1], [0, 0, 1, 1], [], []>, transpose_lhs_hint = false} : vector<7168x9xf32>, vector<9x128xf32>, vector<7168x128xf32> -> vector<7168x128xf32>
    %get3A_6 = arith.constant 0 : index
    %get3A_7 = arith.constant 0 : index
    %get3A_8 = vector.load %arg3[%get3A_6, %get3A_7] : memref<1x128xf32, #tpu.memory_space<vmem>>, vector<1x128xf32>
    %add3A = vector.broadcast %get3A_8 : vector<1x128xf32> to vector<7168x128xf32>
    %add3A_9 = arith.addf %dot_general3A_5, %add3A : vector<7168x128xf32>
    %max3A = arith.constant 0.000000e+00 : f32
    %max3A_10 = vector.broadcast %max3A : f32 to vector<7168x128xf32>
    %max3A_11 = arith.maximumf %add3A_9, %max3A_10 : vector<7168x128xf32>
    %reshape3A = vector.shape_cast %max3A_11 : vector<7168x128xf32> to vector<32x14x16x128xf32>
    %slice3A = vector.extract_strided_slice %reshape3A {offsets = [0, 0, 0, 0], sizes = [32, 14, 14, 128], strides = [1, 1, 1, 1]} : vector<32x14x16x128xf32> to vector<32x14x14x128xf32>
    %broadcast_in_dim3A = arith.constant 0.000000e+00 : f32
    %broadcast_in_dim3A_12 = vector.broadcast %broadcast_in_dim3A : f32 to vector<32x14x1x128xf32>
    %broadcast_in_dim3A_13 = arith.constant 0.000000e+00 : f32
    %broadcast_in_dim3A_14 = vector.broadcast %broadcast_in_dim3A_13 : f32 to vector<32x14x3x128xf32>
    %concatenate3A = tpu.concatenate %broadcast_in_dim3A_12, %slice3A, %broadcast_in_dim3A_14 in 2 : vector<32x14x1x128xf32>, vector<32x14x14x128xf32>, vector<32x14x3x128xf32> -> vector<32x14x18x128xf32>
    %broadcast_in_dim3A_15 = arith.constant 0.000000e+00 : f32
    %broadcast_in_dim3A_16 = vector.broadcast %broadcast_in_dim3A_15 : f32 to vector<32x1x18x128xf32>
    %concatenate3A_17 = tpu.concatenate %broadcast_in_dim3A_16, %concatenate3A, %broadcast_in_dim3A_16 in 1 : vector<32x1x18x128xf32>, vector<32x14x18x128xf32>, vector<32x1x18x128xf32> -> vector<32x16x18x128xf32>
    %broadcast_in_dim3A_18 = arith.constant 0.000000e+00 : f32
    %broadcast_in_dim3A_19 = vector.broadcast %broadcast_in_dim3A_18 : f32 to vector<1792x128xf32>
    %slice3A_20 = vector.extract_strided_slice %concatenate3A_17 {offsets = [0, 0, 0, 0], sizes = [32, 1, 18, 128], strides = [1, 1, 1, 1]} : vector<32x16x18x128xf32> to vector<32x1x18x128xf32>
    %slice3A_21 = vector.extract_strided_slice %concatenate3A_17 {offsets = [0, 2, 0, 0], sizes = [32, 1, 18, 128], strides = [1, 1, 1, 1]} : vector<32x16x18x128xf32> to vector<32x1x18x128xf32>
    %slice3A_22 = vector.extract_strided_slice %concatenate3A_17 {offsets = [0, 4, 0, 0], sizes = [32, 1, 18, 128], strides = [1, 1, 1, 1]} : vector<32x16x18x128xf32> to vector<32x1x18x128xf32>
    %slice3A_23 = vector.extract_strided_slice %concatenate3A_17 {offsets = [0, 6, 0, 0], sizes = [32, 1, 18, 128], strides = [1, 1, 1, 1]} : vector<32x16x18x128xf32> to vector<32x1x18x128xf32>
    %slice3A_24 = vector.extract_strided_slice %concatenate3A_17 {offsets = [0, 8, 0, 0], sizes = [32, 1, 18, 128], strides = [1, 1, 1, 1]} : vector<32x16x18x128xf32> to vector<32x1x18x128xf32>
    %slice3A_25 = vector.extract_strided_slice %concatenate3A_17 {offsets = [0, 10, 0, 0], sizes = [32, 1, 18, 128], strides = [1, 1, 1, 1]} : vector<32x16x18x128xf32> to vector<32x1x18x128xf32>
    %slice3A_26 = vector.extract_strided_slice %concatenate3A_17 {offsets = [0, 12, 0, 0], sizes = [32, 1, 18, 128], strides = [1, 1, 1, 1]} : vector<32x16x18x128xf32> to vector<32x1x18x128xf32>
    %concatenate3A_27 = tpu.concatenate %slice3A_20, %slice3A_21, %slice3A_22, %slice3A_23, %slice3A_24, %slice3A_25, %slice3A_26 in 1 : vector<32x1x18x128xf32>, vector<32x1x18x128xf32>, vector<32x1x18x128xf32>, vector<32x1x18x128xf32>, vector<32x1x18x128xf32>, vector<32x1x18x128xf32>, vector<32x1x18x128xf32> -> vector<32x7x18x128xf32>
    %slice3A_28 = vector.extract_strided_slice %concatenate3A_27 {offsets = [0, 0, 0, 0], sizes = [32, 7, 1, 128], strides = [1, 1, 1, 1]} : vector<32x7x18x128xf32> to vector<32x7x1x128xf32>
    %slice3A_29 = vector.extract_strided_slice %concatenate3A_27 {offsets = [0, 0, 2, 0], sizes = [32, 7, 1, 128], strides = [1, 1, 1, 1]} : vector<32x7x18x128xf32> to vector<32x7x1x128xf32>
    %slice3A_30 = vector.extract_strided_slice %concatenate3A_27 {offsets = [0, 0, 4, 0], sizes = [32, 7, 1, 128], strides = [1, 1, 1, 1]} : vector<32x7x18x128xf32> to vector<32x7x1x128xf32>
    %slice3A_31 = vector.extract_strided_slice %concatenate3A_27 {offsets = [0, 0, 6, 0], sizes = [32, 7, 1, 128], strides = [1, 1, 1, 1]} : vector<32x7x18x128xf32> to vector<32x7x1x128xf32>
    %slice3A_32 = vector.extract_strided_slice %concatenate3A_27 {offsets = [0, 0, 8, 0], sizes = [32, 7, 1, 128], strides = [1, 1, 1, 1]} : vector<32x7x18x128xf32> to vector<32x7x1x128xf32>
    %slice3A_33 = vector.extract_strided_slice %concatenate3A_27 {offsets = [0, 0, 10, 0], sizes = [32, 7, 1, 128], strides = [1, 1, 1, 1]} : vector<32x7x18x128xf32> to vector<32x7x1x128xf32>
    %slice3A_34 = vector.extract_strided_slice %concatenate3A_27 {offsets = [0, 0, 12, 0], sizes = [32, 7, 1, 128], strides = [1, 1, 1, 1]} : vector<32x7x18x128xf32> to vector<32x7x1x128xf32>
    %slice3A_35 = vector.extract_strided_slice %concatenate3A_27 {offsets = [0, 0, 0, 0], sizes = [32, 7, 1, 128], strides = [1, 1, 1, 1]} : vector<32x7x18x128xf32> to vector<32x7x1x128xf32>
    %concatenate3A_36 = tpu.concatenate %slice3A_28, %slice3A_29, %slice3A_30, %slice3A_31, %slice3A_32, %slice3A_33, %slice3A_34, %slice3A_35 in 2 : vector<32x7x1x128xf32>, vector<32x7x1x128xf32>, vector<32x7x1x128xf32>, vector<32x7x1x128xf32>, vector<32x7x1x128xf32>, vector<32x7x1x128xf32>, vector<32x7x1x128xf32>, vector<32x7x1x128xf32> -> vector<32x7x8x128xf32>
    %reshape3A_37 = vector.shape_cast %concatenate3A_36 : vector<32x7x8x128xf32> to vector<1792x128xf32>
    %get3A_38 = arith.constant 0 : index
    %get3A_39 = arith.constant 0 : index
    %get3A_40 = arith.constant 0 : index
    %get3A_41 = vector.load %arg4[%get3A_38, %get3A_39, %get3A_40] : memref<9x128x128xf32, #tpu.memory_space<vmem>>, vector<1x128x128xf32>
    %get3A_42 = vector.shape_cast %get3A_41 : vector<1x128x128xf32> to vector<128x128xf32>
    %dot_general3A_43 = arith.constant dense<0.000000e+00> : vector<1792x128xf32>
    %dot_general3A_44 = tpu.matmul %reshape3A_37, %get3A_42, %dot_general3A_43 {dimension_numbers = #tpu.dot_dimension_numbers<[1], [0], [0], [1], [0, 0, 1, 1], [], []>, transpose_lhs_hint = false} : vector<1792x128xf32>, vector<128x128xf32>, vector<1792x128xf32> -> vector<1792x128xf32>
    %add3A_45 = arith.addf %broadcast_in_dim3A_19, %dot_general3A_44 : vector<1792x128xf32>
    %slice3A_46 = vector.extract_strided_slice %concatenate3A_17 {offsets = [0, 0, 0, 0], sizes = [32, 1, 18, 128], strides = [1, 1, 1, 1]} : vector<32x16x18x128xf32> to vector<32x1x18x128xf32>
    %slice3A_47 = vector.extract_strided_slice %concatenate3A_17 {offsets = [0, 2, 0, 0], sizes = [32, 1, 18, 128], strides = [1, 1, 1, 1]} : vector<32x16x18x128xf32> to vector<32x1x18x128xf32>
    %slice3A_48 = vector.extract_strided_slice %concatenate3A_17 {offsets = [0, 4, 0, 0], sizes = [32, 1, 18, 128], strides = [1, 1, 1, 1]} : vector<32x16x18x128xf32> to vector<32x1x18x128xf32>
    %slice3A_49 = vector.extract_strided_slice %concatenate3A_17 {offsets = [0, 6, 0, 0], sizes = [32, 1, 18, 128], strides = [1, 1, 1, 1]} : vector<32x16x18x128xf32> to vector<32x1x18x128xf32>
    %slice3A_50 = vector.extract_strided_slice %concatenate3A_17 {offsets = [0, 8, 0, 0], sizes = [32, 1, 18, 128], strides = [1, 1, 1, 1]} : vector<32x16x18x128xf32> to vector<32x1x18x128xf32>
    %slice3A_51 = vector.extract_strided_slice %concatenate3A_17 {offsets = [0, 10, 0, 0], sizes = [32, 1, 18, 128], strides = [1, 1, 1, 1]} : vector<32x16x18x128xf32> to vector<32x1x18x128xf32>
    %slice3A_52 = vector.extract_strided_slice %concatenate3A_17 {offsets = [0, 12, 0, 0], sizes = [32, 1, 18, 128], strides = [1, 1, 1, 1]} : vector<32x16x18x128xf32> to vector<32x1x18x128xf32>
    %concatenate3A_53 = tpu.concatenate %slice3A_46, %slice3A_47, %slice3A_48, %slice3A_49, %slice3A_50, %slice3A_51, %slice3A_52 in 1 : vector<32x1x18x128xf32>, vector<32x1x18x128xf32>, vector<32x1x18x128xf32>, vector<32x1x18x128xf32>, vector<32x1x18x128xf32>, vector<32x1x18x128xf32>, vector<32x1x18x128xf32> -> vector<32x7x18x128xf32>
    %slice3A_54 = vector.extract_strided_slice %concatenate3A_53 {offsets = [0, 0, 1, 0], sizes = [32, 7, 1, 128], strides = [1, 1, 1, 1]} : vector<32x7x18x128xf32> to vector<32x7x1x128xf32>
    %slice3A_55 = vector.extract_strided_slice %concatenate3A_53 {offsets = [0, 0, 3, 0], sizes = [32, 7, 1, 128], strides = [1, 1, 1, 1]} : vector<32x7x18x128xf32> to vector<32x7x1x128xf32>
    %slice3A_56 = vector.extract_strided_slice %concatenate3A_53 {offsets = [0, 0, 5, 0], sizes = [32, 7, 1, 128], strides = [1, 1, 1, 1]} : vector<32x7x18x128xf32> to vector<32x7x1x128xf32>
    %slice3A_57 = vector.extract_strided_slice %concatenate3A_53 {offsets = [0, 0, 7, 0], sizes = [32, 7, 1, 128], strides = [1, 1, 1, 1]} : vector<32x7x18x128xf32> to vector<32x7x1x128xf32>
    %slice3A_58 = vector.extract_strided_slice %concatenate3A_53 {offsets = [0, 0, 9, 0], sizes = [32, 7, 1, 128], strides = [1, 1, 1, 1]} : vector<32x7x18x128xf32> to vector<32x7x1x128xf32>
    %slice3A_59 = vector.extract_strided_slice %concatenate3A_53 {offsets = [0, 0, 11, 0], sizes = [32, 7, 1, 128], strides = [1, 1, 1, 1]} : vector<32x7x18x128xf32> to vector<32x7x1x128xf32>
    %slice3A_60 = vector.extract_strided_slice %concatenate3A_53 {offsets = [0, 0, 13, 0], sizes = [32, 7, 1, 128], strides = [1, 1, 1, 1]} : vector<32x7x18x128xf32> to vector<32x7x1x128xf32>
    %slice3A_61 = vector.extract_strided_slice %concatenate3A_53 {offsets = [0, 0, 0, 0], sizes = [32, 7, 1, 128], strides = [1, 1, 1, 1]} : vector<32x7x18x128xf32> to vector<32x7x1x128xf32>
    %concatenate3A_62 = tpu.concatenate %slice3A_54, %slice3A_55, %slice3A_56, %slice3A_57, %slice3A_58, %slice3A_59, %slice3A_60, %slice3A_61 in 2 : vector<32x7x1x128xf32>, vector<32x7x1x128xf32>, vector<32x7x1x128xf32>, vector<32x7x1x128xf32>, vector<32x7x1x128xf32>, vector<32x7x1x128xf32>, vector<32x7x1x128xf32>, vector<32x7x1x128xf32> -> vector<32x7x8x128xf32>
    %reshape3A_63 = vector.shape_cast %concatenate3A_62 : vector<32x7x8x128xf32> to vector<1792x128xf32>
    %get3A_64 = arith.constant 1 : index
    %get3A_65 = arith.constant 0 : index
    %get3A_66 = arith.constant 0 : index
    %get3A_67 = vector.load %arg4[%get3A_64, %get3A_65, %get3A_66] : memref<9x128x128xf32, #tpu.memory_space<vmem>>, vector<1x128x128xf32>
    %get3A_68 = vector.shape_cast %get3A_67 : vector<1x128x128xf32> to vector<128x128xf32>
    %dot_general3A_69 = arith.constant dense<0.000000e+00> : vector<1792x128xf32>
    %dot_general3A_70 = tpu.matmul %reshape3A_63, %get3A_68, %dot_general3A_69 {dimension_numbers = #tpu.dot_dimension_numbers<[1], [0], [0], [1], [0, 0, 1, 1], [], []>, transpose_lhs_hint = false} : vector<1792x128xf32>, vector<128x128xf32>, vector<1792x128xf32> -> vector<1792x128xf32>
    %add3A_71 = arith.addf %add3A_45, %dot_general3A_70 : vector<1792x128xf32>
    %slice3A_72 = vector.extract_strided_slice %concatenate3A_17 {offsets = [0, 0, 0, 0], sizes = [32, 1, 18, 128], strides = [1, 1, 1, 1]} : vector<32x16x18x128xf32> to vector<32x1x18x128xf32>
    %slice3A_73 = vector.extract_strided_slice %concatenate3A_17 {offsets = [0, 2, 0, 0], sizes = [32, 1, 18, 128], strides = [1, 1, 1, 1]} : vector<32x16x18x128xf32> to vector<32x1x18x128xf32>
    %slice3A_74 = vector.extract_strided_slice %concatenate3A_17 {offsets = [0, 4, 0, 0], sizes = [32, 1, 18, 128], strides = [1, 1, 1, 1]} : vector<32x16x18x128xf32> to vector<32x1x18x128xf32>
    %slice3A_75 = vector.extract_strided_slice %concatenate3A_17 {offsets = [0, 6, 0, 0], sizes = [32, 1, 18, 128], strides = [1, 1, 1, 1]} : vector<32x16x18x128xf32> to vector<32x1x18x128xf32>
    %slice3A_76 = vector.extract_strided_slice %concatenate3A_17 {offsets = [0, 8, 0, 0], sizes = [32, 1, 18, 128], strides = [1, 1, 1, 1]} : vector<32x16x18x128xf32> to vector<32x1x18x128xf32>
    %slice3A_77 = vector.extract_strided_slice %concatenate3A_17 {offsets = [0, 10, 0, 0], sizes = [32, 1, 18, 128], strides = [1, 1, 1, 1]} : vector<32x16x18x128xf32> to vector<32x1x18x128xf32>
    %slice3A_78 = vector.extract_strided_slice %concatenate3A_17 {offsets = [0, 12, 0, 0], sizes = [32, 1, 18, 128], strides = [1, 1, 1, 1]} : vector<32x16x18x128xf32> to vector<32x1x18x128xf32>
    %concatenate3A_79 = tpu.concatenate %slice3A_72, %slice3A_73, %slice3A_74, %slice3A_75, %slice3A_76, %slice3A_77, %slice3A_78 in 1 : vector<32x1x18x128xf32>, vector<32x1x18x128xf32>, vector<32x1x18x128xf32>, vector<32x1x18x128xf32>, vector<32x1x18x128xf32>, vector<32x1x18x128xf32>, vector<32x1x18x128xf32> -> vector<32x7x18x128xf32>
    %slice3A_80 = vector.extract_strided_slice %concatenate3A_79 {offsets = [0, 0, 2, 0], sizes = [32, 7, 1, 128], strides = [1, 1, 1, 1]} : vector<32x7x18x128xf32> to vector<32x7x1x128xf32>
    %slice3A_81 = vector.extract_strided_slice %concatenate3A_79 {offsets = [0, 0, 4, 0], sizes = [32, 7, 1, 128], strides = [1, 1, 1, 1]} : vector<32x7x18x128xf32> to vector<32x7x1x128xf32>
    %slice3A_82 = vector.extract_strided_slice %concatenate3A_79 {offsets = [0, 0, 6, 0], sizes = [32, 7, 1, 128], strides = [1, 1, 1, 1]} : vector<32x7x18x128xf32> to vector<32x7x1x128xf32>
    %slice3A_83 = vector.extract_strided_slice %concatenate3A_79 {offsets = [0, 0, 8, 0], sizes = [32, 7, 1, 128], strides = [1, 1, 1, 1]} : vector<32x7x18x128xf32> to vector<32x7x1x128xf32>
    %slice3A_84 = vector.extract_strided_slice %concatenate3A_79 {offsets = [0, 0, 10, 0], sizes = [32, 7, 1, 128], strides = [1, 1, 1, 1]} : vector<32x7x18x128xf32> to vector<32x7x1x128xf32>
    %slice3A_85 = vector.extract_strided_slice %concatenate3A_79 {offsets = [0, 0, 12, 0], sizes = [32, 7, 1, 128], strides = [1, 1, 1, 1]} : vector<32x7x18x128xf32> to vector<32x7x1x128xf32>
    %slice3A_86 = vector.extract_strided_slice %concatenate3A_79 {offsets = [0, 0, 14, 0], sizes = [32, 7, 1, 128], strides = [1, 1, 1, 1]} : vector<32x7x18x128xf32> to vector<32x7x1x128xf32>
    %slice3A_87 = vector.extract_strided_slice %concatenate3A_79 {offsets = [0, 0, 0, 0], sizes = [32, 7, 1, 128], strides = [1, 1, 1, 1]} : vector<32x7x18x128xf32> to vector<32x7x1x128xf32>
    %concatenate3A_88 = tpu.concatenate %slice3A_80, %slice3A_81, %slice3A_82, %slice3A_83, %slice3A_84, %slice3A_85, %slice3A_86, %slice3A_87 in 2 : vector<32x7x1x128xf32>, vector<32x7x1x128xf32>, vector<32x7x1x128xf32>, vector<32x7x1x128xf32>, vector<32x7x1x128xf32>, vector<32x7x1x128xf32>, vector<32x7x1x128xf32>, vector<32x7x1x128xf32> -> vector<32x7x8x128xf32>
    %reshape3A_89 = vector.shape_cast %concatenate3A_88 : vector<32x7x8x128xf32> to vector<1792x128xf32>
    %get3A_90 = arith.constant 2 : index
    %get3A_91 = arith.constant 0 : index
    %get3A_92 = arith.constant 0 : index
    %get3A_93 = vector.load %arg4[%get3A_90, %get3A_91, %get3A_92] : memref<9x128x128xf32, #tpu.memory_space<vmem>>, vector<1x128x128xf32>
    %get3A_94 = vector.shape_cast %get3A_93 : vector<1x128x128xf32> to vector<128x128xf32>
    %dot_general3A_95 = arith.constant dense<0.000000e+00> : vector<1792x128xf32>
    %dot_general3A_96 = tpu.matmul %reshape3A_89, %get3A_94, %dot_general3A_95 {dimension_numbers = #tpu.dot_dimension_numbers<[1], [0], [0], [1], [0, 0, 1, 1], [], []>, transpose_lhs_hint = false} : vector<1792x128xf32>, vector<128x128xf32>, vector<1792x128xf32> -> vector<1792x128xf32>
    %add3A_97 = arith.addf %add3A_71, %dot_general3A_96 : vector<1792x128xf32>
    %slice3A_98 = vector.extract_strided_slice %concatenate3A_17 {offsets = [0, 1, 0, 0], sizes = [32, 1, 18, 128], strides = [1, 1, 1, 1]} : vector<32x16x18x128xf32> to vector<32x1x18x128xf32>
    %slice3A_99 = vector.extract_strided_slice %concatenate3A_17 {offsets = [0, 3, 0, 0], sizes = [32, 1, 18, 128], strides = [1, 1, 1, 1]} : vector<32x16x18x128xf32> to vector<32x1x18x128xf32>
    %slice3A_100 = vector.extract_strided_slice %concatenate3A_17 {offsets = [0, 5, 0, 0], sizes = [32, 1, 18, 128], strides = [1, 1, 1, 1]} : vector<32x16x18x128xf32> to vector<32x1x18x128xf32>
    %slice3A_101 = vector.extract_strided_slice %concatenate3A_17 {offsets = [0, 7, 0, 0], sizes = [32, 1, 18, 128], strides = [1, 1, 1, 1]} : vector<32x16x18x128xf32> to vector<32x1x18x128xf32>
    %slice3A_102 = vector.extract_strided_slice %concatenate3A_17 {offsets = [0, 9, 0, 0], sizes = [32, 1, 18, 128], strides = [1, 1, 1, 1]} : vector<32x16x18x128xf32> to vector<32x1x18x128xf32>
    %slice3A_103 = vector.extract_strided_slice %concatenate3A_17 {offsets = [0, 11, 0, 0], sizes = [32, 1, 18, 128], strides = [1, 1, 1, 1]} : vector<32x16x18x128xf32> to vector<32x1x18x128xf32>
    %slice3A_104 = vector.extract_strided_slice %concatenate3A_17 {offsets = [0, 13, 0, 0], sizes = [32, 1, 18, 128], strides = [1, 1, 1, 1]} : vector<32x16x18x128xf32> to vector<32x1x18x128xf32>
    %concatenate3A_105 = tpu.concatenate %slice3A_98, %slice3A_99, %slice3A_100, %slice3A_101, %slice3A_102, %slice3A_103, %slice3A_104 in 1 : vector<32x1x18x128xf32>, vector<32x1x18x128xf32>, vector<32x1x18x128xf32>, vector<32x1x18x128xf32>, vector<32x1x18x128xf32>, vector<32x1x18x128xf32>, vector<32x1x18x128xf32> -> vector<32x7x18x128xf32>
    %slice3A_106 = vector.extract_strided_slice %concatenate3A_105 {offsets = [0, 0, 0, 0], sizes = [32, 7, 1, 128], strides = [1, 1, 1, 1]} : vector<32x7x18x128xf32> to vector<32x7x1x128xf32>
    %slice3A_107 = vector.extract_strided_slice %concatenate3A_105 {offsets = [0, 0, 2, 0], sizes = [32, 7, 1, 128], strides = [1, 1, 1, 1]} : vector<32x7x18x128xf32> to vector<32x7x1x128xf32>
    %slice3A_108 = vector.extract_strided_slice %concatenate3A_105 {offsets = [0, 0, 4, 0], sizes = [32, 7, 1, 128], strides = [1, 1, 1, 1]} : vector<32x7x18x128xf32> to vector<32x7x1x128xf32>
    %slice3A_109 = vector.extract_strided_slice %concatenate3A_105 {offsets = [0, 0, 6, 0], sizes = [32, 7, 1, 128], strides = [1, 1, 1, 1]} : vector<32x7x18x128xf32> to vector<32x7x1x128xf32>
    %slice3A_110 = vector.extract_strided_slice %concatenate3A_105 {offsets = [0, 0, 8, 0], sizes = [32, 7, 1, 128], strides = [1, 1, 1, 1]} : vector<32x7x18x128xf32> to vector<32x7x1x128xf32>
    %slice3A_111 = vector.extract_strided_slice %concatenate3A_105 {offsets = [0, 0, 10, 0], sizes = [32, 7, 1, 128], strides = [1, 1, 1, 1]} : vector<32x7x18x128xf32> to vector<32x7x1x128xf32>
    %slice3A_112 = vector.extract_strided_slice %concatenate3A_105 {offsets = [0, 0, 12, 0], sizes = [32, 7, 1, 128], strides = [1, 1, 1, 1]} : vector<32x7x18x128xf32> to vector<32x7x1x128xf32>
    %slice3A_113 = vector.extract_strided_slice %concatenate3A_105 {offsets = [0, 0, 0, 0], sizes = [32, 7, 1, 128], strides = [1, 1, 1, 1]} : vector<32x7x18x128xf32> to vector<32x7x1x128xf32>
    %concatenate3A_114 = tpu.concatenate %slice3A_106, %slice3A_107, %slice3A_108, %slice3A_109, %slice3A_110, %slice3A_111, %slice3A_112, %slice3A_113 in 2 : vector<32x7x1x128xf32>, vector<32x7x1x128xf32>, vector<32x7x1x128xf32>, vector<32x7x1x128xf32>, vector<32x7x1x128xf32>, vector<32x7x1x128xf32>, vector<32x7x1x128xf32>, vector<32x7x1x128xf32> -> vector<32x7x8x128xf32>
    %reshape3A_115 = vector.shape_cast %concatenate3A_114 : vector<32x7x8x128xf32> to vector<1792x128xf32>
    %get3A_116 = arith.constant 3 : index
    %get3A_117 = arith.constant 0 : index
    %get3A_118 = arith.constant 0 : index
    %get3A_119 = vector.load %arg4[%get3A_116, %get3A_117, %get3A_118] : memref<9x128x128xf32, #tpu.memory_space<vmem>>, vector<1x128x128xf32>
    %get3A_120 = vector.shape_cast %get3A_119 : vector<1x128x128xf32> to vector<128x128xf32>
    %dot_general3A_121 = arith.constant dense<0.000000e+00> : vector<1792x128xf32>
    %dot_general3A_122 = tpu.matmul %reshape3A_115, %get3A_120, %dot_general3A_121 {dimension_numbers = #tpu.dot_dimension_numbers<[1], [0], [0], [1], [0, 0, 1, 1], [], []>, transpose_lhs_hint = false} : vector<1792x128xf32>, vector<128x128xf32>, vector<1792x128xf32> -> vector<1792x128xf32>
    %add3A_123 = arith.addf %add3A_97, %dot_general3A_122 : vector<1792x128xf32>
    %slice3A_124 = vector.extract_strided_slice %concatenate3A_17 {offsets = [0, 1, 0, 0], sizes = [32, 1, 18, 128], strides = [1, 1, 1, 1]} : vector<32x16x18x128xf32> to vector<32x1x18x128xf32>
    %slice3A_125 = vector.extract_strided_slice %concatenate3A_17 {offsets = [0, 3, 0, 0], sizes = [32, 1, 18, 128], strides = [1, 1, 1, 1]} : vector<32x16x18x128xf32> to vector<32x1x18x128xf32>
    %slice3A_126 = vector.extract_strided_slice %concatenate3A_17 {offsets = [0, 5, 0, 0], sizes = [32, 1, 18, 128], strides = [1, 1, 1, 1]} : vector<32x16x18x128xf32> to vector<32x1x18x128xf32>
    %slice3A_127 = vector.extract_strided_slice %concatenate3A_17 {offsets = [0, 7, 0, 0], sizes = [32, 1, 18, 128], strides = [1, 1, 1, 1]} : vector<32x16x18x128xf32> to vector<32x1x18x128xf32>
    %slice3A_128 = vector.extract_strided_slice %concatenate3A_17 {offsets = [0, 9, 0, 0], sizes = [32, 1, 18, 128], strides = [1, 1, 1, 1]} : vector<32x16x18x128xf32> to vector<32x1x18x128xf32>
    %slice3A_129 = vector.extract_strided_slice %concatenate3A_17 {offsets = [0, 11, 0, 0], sizes = [32, 1, 18, 128], strides = [1, 1, 1, 1]} : vector<32x16x18x128xf32> to vector<32x1x18x128xf32>
    %slice3A_130 = vector.extract_strided_slice %concatenate3A_17 {offsets = [0, 13, 0, 0], sizes = [32, 1, 18, 128], strides = [1, 1, 1, 1]} : vector<32x16x18x128xf32> to vector<32x1x18x128xf32>
    %concatenate3A_131 = tpu.concatenate %slice3A_124, %slice3A_125, %slice3A_126, %slice3A_127, %slice3A_128, %slice3A_129, %slice3A_130 in 1 : vector<32x1x18x128xf32>, vector<32x1x18x128xf32>, vector<32x1x18x128xf32>, vector<32x1x18x128xf32>, vector<32x1x18x128xf32>, vector<32x1x18x128xf32>, vector<32x1x18x128xf32> -> vector<32x7x18x128xf32>
    %slice3A_132 = vector.extract_strided_slice %concatenate3A_131 {offsets = [0, 0, 1, 0], sizes = [32, 7, 1, 128], strides = [1, 1, 1, 1]} : vector<32x7x18x128xf32> to vector<32x7x1x128xf32>
    %slice3A_133 = vector.extract_strided_slice %concatenate3A_131 {offsets = [0, 0, 3, 0], sizes = [32, 7, 1, 128], strides = [1, 1, 1, 1]} : vector<32x7x18x128xf32> to vector<32x7x1x128xf32>
    %slice3A_134 = vector.extract_strided_slice %concatenate3A_131 {offsets = [0, 0, 5, 0], sizes = [32, 7, 1, 128], strides = [1, 1, 1, 1]} : vector<32x7x18x128xf32> to vector<32x7x1x128xf32>
    %slice3A_135 = vector.extract_strided_slice %concatenate3A_131 {offsets = [0, 0, 7, 0], sizes = [32, 7, 1, 128], strides = [1, 1, 1, 1]} : vector<32x7x18x128xf32> to vector<32x7x1x128xf32>
    %slice3A_136 = vector.extract_strided_slice %concatenate3A_131 {offsets = [0, 0, 9, 0], sizes = [32, 7, 1, 128], strides = [1, 1, 1, 1]} : vector<32x7x18x128xf32> to vector<32x7x1x128xf32>
    %slice3A_137 = vector.extract_strided_slice %concatenate3A_131 {offsets = [0, 0, 11, 0], sizes = [32, 7, 1, 128], strides = [1, 1, 1, 1]} : vector<32x7x18x128xf32> to vector<32x7x1x128xf32>
    %slice3A_138 = vector.extract_strided_slice %concatenate3A_131 {offsets = [0, 0, 13, 0], sizes = [32, 7, 1, 128], strides = [1, 1, 1, 1]} : vector<32x7x18x128xf32> to vector<32x7x1x128xf32>
    %slice3A_139 = vector.extract_strided_slice %concatenate3A_131 {offsets = [0, 0, 0, 0], sizes = [32, 7, 1, 128], strides = [1, 1, 1, 1]} : vector<32x7x18x128xf32> to vector<32x7x1x128xf32>
    %concatenate3A_140 = tpu.concatenate %slice3A_132, %slice3A_133, %slice3A_134, %slice3A_135, %slice3A_136, %slice3A_137, %slice3A_138, %slice3A_139 in 2 : vector<32x7x1x128xf32>, vector<32x7x1x128xf32>, vector<32x7x1x128xf32>, vector<32x7x1x128xf32>, vector<32x7x1x128xf32>, vector<32x7x1x128xf32>, vector<32x7x1x128xf32>, vector<32x7x1x128xf32> -> vector<32x7x8x128xf32>
    %reshape3A_141 = vector.shape_cast %concatenate3A_140 : vector<32x7x8x128xf32> to vector<1792x128xf32>
    %get3A_142 = arith.constant 4 : index
    %get3A_143 = arith.constant 0 : index
    %get3A_144 = arith.constant 0 : index
    %get3A_145 = vector.load %arg4[%get3A_142, %get3A_143, %get3A_144] : memref<9x128x128xf32, #tpu.memory_space<vmem>>, vector<1x128x128xf32>
    %get3A_146 = vector.shape_cast %get3A_145 : vector<1x128x128xf32> to vector<128x128xf32>
    %dot_general3A_147 = arith.constant dense<0.000000e+00> : vector<1792x128xf32>
    %dot_general3A_148 = tpu.matmul %reshape3A_141, %get3A_146, %dot_general3A_147 {dimension_numbers = #tpu.dot_dimension_numbers<[1], [0], [0], [1], [0, 0, 1, 1], [], []>, transpose_lhs_hint = false} : vector<1792x128xf32>, vector<128x128xf32>, vector<1792x128xf32> -> vector<1792x128xf32>
    %add3A_149 = arith.addf %add3A_123, %dot_general3A_148 : vector<1792x128xf32>
    %slice3A_150 = vector.extract_strided_slice %concatenate3A_17 {offsets = [0, 1, 0, 0], sizes = [32, 1, 18, 128], strides = [1, 1, 1, 1]} : vector<32x16x18x128xf32> to vector<32x1x18x128xf32>
    %slice3A_151 = vector.extract_strided_slice %concatenate3A_17 {offsets = [0, 3, 0, 0], sizes = [32, 1, 18, 128], strides = [1, 1, 1, 1]} : vector<32x16x18x128xf32> to vector<32x1x18x128xf32>
    %slice3A_152 = vector.extract_strided_slice %concatenate3A_17 {offsets = [0, 5, 0, 0], sizes = [32, 1, 18, 128], strides = [1, 1, 1, 1]} : vector<32x16x18x128xf32> to vector<32x1x18x128xf32>
    %slice3A_153 = vector.extract_strided_slice %concatenate3A_17 {offsets = [0, 7, 0, 0], sizes = [32, 1, 18, 128], strides = [1, 1, 1, 1]} : vector<32x16x18x128xf32> to vector<32x1x18x128xf32>
    %slice3A_154 = vector.extract_strided_slice %concatenate3A_17 {offsets = [0, 9, 0, 0], sizes = [32, 1, 18, 128], strides = [1, 1, 1, 1]} : vector<32x16x18x128xf32> to vector<32x1x18x128xf32>
    %slice3A_155 = vector.extract_strided_slice %concatenate3A_17 {offsets = [0, 11, 0, 0], sizes = [32, 1, 18, 128], strides = [1, 1, 1, 1]} : vector<32x16x18x128xf32> to vector<32x1x18x128xf32>
    %slice3A_156 = vector.extract_strided_slice %concatenate3A_17 {offsets = [0, 13, 0, 0], sizes = [32, 1, 18, 128], strides = [1, 1, 1, 1]} : vector<32x16x18x128xf32> to vector<32x1x18x128xf32>
    %concatenate3A_157 = tpu.concatenate %slice3A_150, %slice3A_151, %slice3A_152, %slice3A_153, %slice3A_154, %slice3A_155, %slice3A_156 in 1 : vector<32x1x18x128xf32>, vector<32x1x18x128xf32>, vector<32x1x18x128xf32>, vector<32x1x18x128xf32>, vector<32x1x18x128xf32>, vector<32x1x18x128xf32>, vector<32x1x18x128xf32> -> vector<32x7x18x128xf32>
    %slice3A_158 = vector.extract_strided_slice %concatenate3A_157 {offsets = [0, 0, 2, 0], sizes = [32, 7, 1, 128], strides = [1, 1, 1, 1]} : vector<32x7x18x128xf32> to vector<32x7x1x128xf32>
    %slice3A_159 = vector.extract_strided_slice %concatenate3A_157 {offsets = [0, 0, 4, 0], sizes = [32, 7, 1, 128], strides = [1, 1, 1, 1]} : vector<32x7x18x128xf32> to vector<32x7x1x128xf32>
    %slice3A_160 = vector.extract_strided_slice %concatenate3A_157 {offsets = [0, 0, 6, 0], sizes = [32, 7, 1, 128], strides = [1, 1, 1, 1]} : vector<32x7x18x128xf32> to vector<32x7x1x128xf32>
    %slice3A_161 = vector.extract_strided_slice %concatenate3A_157 {offsets = [0, 0, 8, 0], sizes = [32, 7, 1, 128], strides = [1, 1, 1, 1]} : vector<32x7x18x128xf32> to vector<32x7x1x128xf32>
    %slice3A_162 = vector.extract_strided_slice %concatenate3A_157 {offsets = [0, 0, 10, 0], sizes = [32, 7, 1, 128], strides = [1, 1, 1, 1]} : vector<32x7x18x128xf32> to vector<32x7x1x128xf32>
    %slice3A_163 = vector.extract_strided_slice %concatenate3A_157 {offsets = [0, 0, 12, 0], sizes = [32, 7, 1, 128], strides = [1, 1, 1, 1]} : vector<32x7x18x128xf32> to vector<32x7x1x128xf32>
    %slice3A_164 = vector.extract_strided_slice %concatenate3A_157 {offsets = [0, 0, 14, 0], sizes = [32, 7, 1, 128], strides = [1, 1, 1, 1]} : vector<32x7x18x128xf32> to vector<32x7x1x128xf32>
    %slice3A_165 = vector.extract_strided_slice %concatenate3A_157 {offsets = [0, 0, 0, 0], sizes = [32, 7, 1, 128], strides = [1, 1, 1, 1]} : vector<32x7x18x128xf32> to vector<32x7x1x128xf32>
    %concatenate3A_166 = tpu.concatenate %slice3A_158, %slice3A_159, %slice3A_160, %slice3A_161, %slice3A_162, %slice3A_163, %slice3A_164, %slice3A_165 in 2 : vector<32x7x1x128xf32>, vector<32x7x1x128xf32>, vector<32x7x1x128xf32>, vector<32x7x1x128xf32>, vector<32x7x1x128xf32>, vector<32x7x1x128xf32>, vector<32x7x1x128xf32>, vector<32x7x1x128xf32> -> vector<32x7x8x128xf32>
    %reshape3A_167 = vector.shape_cast %concatenate3A_166 : vector<32x7x8x128xf32> to vector<1792x128xf32>
    %get3A_168 = arith.constant 5 : index
    %get3A_169 = arith.constant 0 : index
    %get3A_170 = arith.constant 0 : index
    %get3A_171 = vector.load %arg4[%get3A_168, %get3A_169, %get3A_170] : memref<9x128x128xf32, #tpu.memory_space<vmem>>, vector<1x128x128xf32>
    %get3A_172 = vector.shape_cast %get3A_171 : vector<1x128x128xf32> to vector<128x128xf32>
    %dot_general3A_173 = arith.constant dense<0.000000e+00> : vector<1792x128xf32>
    %dot_general3A_174 = tpu.matmul %reshape3A_167, %get3A_172, %dot_general3A_173 {dimension_numbers = #tpu.dot_dimension_numbers<[1], [0], [0], [1], [0, 0, 1, 1], [], []>, transpose_lhs_hint = false} : vector<1792x128xf32>, vector<128x128xf32>, vector<1792x128xf32> -> vector<1792x128xf32>
    %add3A_175 = arith.addf %add3A_149, %dot_general3A_174 : vector<1792x128xf32>
    %slice3A_176 = vector.extract_strided_slice %concatenate3A_17 {offsets = [0, 2, 0, 0], sizes = [32, 1, 18, 128], strides = [1, 1, 1, 1]} : vector<32x16x18x128xf32> to vector<32x1x18x128xf32>
    %slice3A_177 = vector.extract_strided_slice %concatenate3A_17 {offsets = [0, 4, 0, 0], sizes = [32, 1, 18, 128], strides = [1, 1, 1, 1]} : vector<32x16x18x128xf32> to vector<32x1x18x128xf32>
    %slice3A_178 = vector.extract_strided_slice %concatenate3A_17 {offsets = [0, 6, 0, 0], sizes = [32, 1, 18, 128], strides = [1, 1, 1, 1]} : vector<32x16x18x128xf32> to vector<32x1x18x128xf32>
    %slice3A_179 = vector.extract_strided_slice %concatenate3A_17 {offsets = [0, 8, 0, 0], sizes = [32, 1, 18, 128], strides = [1, 1, 1, 1]} : vector<32x16x18x128xf32> to vector<32x1x18x128xf32>
    %slice3A_180 = vector.extract_strided_slice %concatenate3A_17 {offsets = [0, 10, 0, 0], sizes = [32, 1, 18, 128], strides = [1, 1, 1, 1]} : vector<32x16x18x128xf32> to vector<32x1x18x128xf32>
    %slice3A_181 = vector.extract_strided_slice %concatenate3A_17 {offsets = [0, 12, 0, 0], sizes = [32, 1, 18, 128], strides = [1, 1, 1, 1]} : vector<32x16x18x128xf32> to vector<32x1x18x128xf32>
    %slice3A_182 = vector.extract_strided_slice %concatenate3A_17 {offsets = [0, 14, 0, 0], sizes = [32, 1, 18, 128], strides = [1, 1, 1, 1]} : vector<32x16x18x128xf32> to vector<32x1x18x128xf32>
    %concatenate3A_183 = tpu.concatenate %slice3A_176, %slice3A_177, %slice3A_178, %slice3A_179, %slice3A_180, %slice3A_181, %slice3A_182 in 1 : vector<32x1x18x128xf32>, vector<32x1x18x128xf32>, vector<32x1x18x128xf32>, vector<32x1x18x128xf32>, vector<32x1x18x128xf32>, vector<32x1x18x128xf32>, vector<32x1x18x128xf32> -> vector<32x7x18x128xf32>
    %slice3A_184 = vector.extract_strided_slice %concatenate3A_183 {offsets = [0, 0, 0, 0], sizes = [32, 7, 1, 128], strides = [1, 1, 1, 1]} : vector<32x7x18x128xf32> to vector<32x7x1x128xf32>
    %slice3A_185 = vector.extract_strided_slice %concatenate3A_183 {offsets = [0, 0, 2, 0], sizes = [32, 7, 1, 128], strides = [1, 1, 1, 1]} : vector<32x7x18x128xf32> to vector<32x7x1x128xf32>
    %slice3A_186 = vector.extract_strided_slice %concatenate3A_183 {offsets = [0, 0, 4, 0], sizes = [32, 7, 1, 128], strides = [1, 1, 1, 1]} : vector<32x7x18x128xf32> to vector<32x7x1x128xf32>
    %slice3A_187 = vector.extract_strided_slice %concatenate3A_183 {offsets = [0, 0, 6, 0], sizes = [32, 7, 1, 128], strides = [1, 1, 1, 1]} : vector<32x7x18x128xf32> to vector<32x7x1x128xf32>
    %slice3A_188 = vector.extract_strided_slice %concatenate3A_183 {offsets = [0, 0, 8, 0], sizes = [32, 7, 1, 128], strides = [1, 1, 1, 1]} : vector<32x7x18x128xf32> to vector<32x7x1x128xf32>
    %slice3A_189 = vector.extract_strided_slice %concatenate3A_183 {offsets = [0, 0, 10, 0], sizes = [32, 7, 1, 128], strides = [1, 1, 1, 1]} : vector<32x7x18x128xf32> to vector<32x7x1x128xf32>
    %slice3A_190 = vector.extract_strided_slice %concatenate3A_183 {offsets = [0, 0, 12, 0], sizes = [32, 7, 1, 128], strides = [1, 1, 1, 1]} : vector<32x7x18x128xf32> to vector<32x7x1x128xf32>
    %slice3A_191 = vector.extract_strided_slice %concatenate3A_183 {offsets = [0, 0, 0, 0], sizes = [32, 7, 1, 128], strides = [1, 1, 1, 1]} : vector<32x7x18x128xf32> to vector<32x7x1x128xf32>
    %concatenate3A_192 = tpu.concatenate %slice3A_184, %slice3A_185, %slice3A_186, %slice3A_187, %slice3A_188, %slice3A_189, %slice3A_190, %slice3A_191 in 2 : vector<32x7x1x128xf32>, vector<32x7x1x128xf32>, vector<32x7x1x128xf32>, vector<32x7x1x128xf32>, vector<32x7x1x128xf32>, vector<32x7x1x128xf32>, vector<32x7x1x128xf32>, vector<32x7x1x128xf32> -> vector<32x7x8x128xf32>
    %reshape3A_193 = vector.shape_cast %concatenate3A_192 : vector<32x7x8x128xf32> to vector<1792x128xf32>
    %get3A_194 = arith.constant 6 : index
    %get3A_195 = arith.constant 0 : index
    %get3A_196 = arith.constant 0 : index
    %get3A_197 = vector.load %arg4[%get3A_194, %get3A_195, %get3A_196] : memref<9x128x128xf32, #tpu.memory_space<vmem>>, vector<1x128x128xf32>
    %get3A_198 = vector.shape_cast %get3A_197 : vector<1x128x128xf32> to vector<128x128xf32>
    %dot_general3A_199 = arith.constant dense<0.000000e+00> : vector<1792x128xf32>
    %dot_general3A_200 = tpu.matmul %reshape3A_193, %get3A_198, %dot_general3A_199 {dimension_numbers = #tpu.dot_dimension_numbers<[1], [0], [0], [1], [0, 0, 1, 1], [], []>, transpose_lhs_hint = false} : vector<1792x128xf32>, vector<128x128xf32>, vector<1792x128xf32> -> vector<1792x128xf32>
    %add3A_201 = arith.addf %add3A_175, %dot_general3A_200 : vector<1792x128xf32>
    %slice3A_202 = vector.extract_strided_slice %concatenate3A_17 {offsets = [0, 2, 0, 0], sizes = [32, 1, 18, 128], strides = [1, 1, 1, 1]} : vector<32x16x18x128xf32> to vector<32x1x18x128xf32>
    %slice3A_203 = vector.extract_strided_slice %concatenate3A_17 {offsets = [0, 4, 0, 0], sizes = [32, 1, 18, 128], strides = [1, 1, 1, 1]} : vector<32x16x18x128xf32> to vector<32x1x18x128xf32>
    %slice3A_204 = vector.extract_strided_slice %concatenate3A_17 {offsets = [0, 6, 0, 0], sizes = [32, 1, 18, 128], strides = [1, 1, 1, 1]} : vector<32x16x18x128xf32> to vector<32x1x18x128xf32>
    %slice3A_205 = vector.extract_strided_slice %concatenate3A_17 {offsets = [0, 8, 0, 0], sizes = [32, 1, 18, 128], strides = [1, 1, 1, 1]} : vector<32x16x18x128xf32> to vector<32x1x18x128xf32>
    %slice3A_206 = vector.extract_strided_slice %concatenate3A_17 {offsets = [0, 10, 0, 0], sizes = [32, 1, 18, 128], strides = [1, 1, 1, 1]} : vector<32x16x18x128xf32> to vector<32x1x18x128xf32>
    %slice3A_207 = vector.extract_strided_slice %concatenate3A_17 {offsets = [0, 12, 0, 0], sizes = [32, 1, 18, 128], strides = [1, 1, 1, 1]} : vector<32x16x18x128xf32> to vector<32x1x18x128xf32>
    %slice3A_208 = vector.extract_strided_slice %concatenate3A_17 {offsets = [0, 14, 0, 0], sizes = [32, 1, 18, 128], strides = [1, 1, 1, 1]} : vector<32x16x18x128xf32> to vector<32x1x18x128xf32>
    %concatenate3A_209 = tpu.concatenate %slice3A_202, %slice3A_203, %slice3A_204, %slice3A_205, %slice3A_206, %slice3A_207, %slice3A_208 in 1 : vector<32x1x18x128xf32>, vector<32x1x18x128xf32>, vector<32x1x18x128xf32>, vector<32x1x18x128xf32>, vector<32x1x18x128xf32>, vector<32x1x18x128xf32>, vector<32x1x18x128xf32> -> vector<32x7x18x128xf32>
    %slice3A_210 = vector.extract_strided_slice %concatenate3A_209 {offsets = [0, 0, 1, 0], sizes = [32, 7, 1, 128], strides = [1, 1, 1, 1]} : vector<32x7x18x128xf32> to vector<32x7x1x128xf32>
    %slice3A_211 = vector.extract_strided_slice %concatenate3A_209 {offsets = [0, 0, 3, 0], sizes = [32, 7, 1, 128], strides = [1, 1, 1, 1]} : vector<32x7x18x128xf32> to vector<32x7x1x128xf32>
    %slice3A_212 = vector.extract_strided_slice %concatenate3A_209 {offsets = [0, 0, 5, 0], sizes = [32, 7, 1, 128], strides = [1, 1, 1, 1]} : vector<32x7x18x128xf32> to vector<32x7x1x128xf32>
    %slice3A_213 = vector.extract_strided_slice %concatenate3A_209 {offsets = [0, 0, 7, 0], sizes = [32, 7, 1, 128], strides = [1, 1, 1, 1]} : vector<32x7x18x128xf32> to vector<32x7x1x128xf32>
    %slice3A_214 = vector.extract_strided_slice %concatenate3A_209 {offsets = [0, 0, 9, 0], sizes = [32, 7, 1, 128], strides = [1, 1, 1, 1]} : vector<32x7x18x128xf32> to vector<32x7x1x128xf32>
    %slice3A_215 = vector.extract_strided_slice %concatenate3A_209 {offsets = [0, 0, 11, 0], sizes = [32, 7, 1, 128], strides = [1, 1, 1, 1]} : vector<32x7x18x128xf32> to vector<32x7x1x128xf32>
    %slice3A_216 = vector.extract_strided_slice %concatenate3A_209 {offsets = [0, 0, 13, 0], sizes = [32, 7, 1, 128], strides = [1, 1, 1, 1]} : vector<32x7x18x128xf32> to vector<32x7x1x128xf32>
    %slice3A_217 = vector.extract_strided_slice %concatenate3A_209 {offsets = [0, 0, 0, 0], sizes = [32, 7, 1, 128], strides = [1, 1, 1, 1]} : vector<32x7x18x128xf32> to vector<32x7x1x128xf32>
    %concatenate3A_218 = tpu.concatenate %slice3A_210, %slice3A_211, %slice3A_212, %slice3A_213, %slice3A_214, %slice3A_215, %slice3A_216, %slice3A_217 in 2 : vector<32x7x1x128xf32>, vector<32x7x1x128xf32>, vector<32x7x1x128xf32>, vector<32x7x1x128xf32>, vector<32x7x1x128xf32>, vector<32x7x1x128xf32>, vector<32x7x1x128xf32>, vector<32x7x1x128xf32> -> vector<32x7x8x128xf32>
    %reshape3A_219 = vector.shape_cast %concatenate3A_218 : vector<32x7x8x128xf32> to vector<1792x128xf32>
    %get3A_220 = arith.constant 7 : index
    %get3A_221 = arith.constant 0 : index
    %get3A_222 = arith.constant 0 : index
    %get3A_223 = vector.load %arg4[%get3A_220, %get3A_221, %get3A_222] : memref<9x128x128xf32, #tpu.memory_space<vmem>>, vector<1x128x128xf32>
    %get3A_224 = vector.shape_cast %get3A_223 : vector<1x128x128xf32> to vector<128x128xf32>
    %dot_general3A_225 = arith.constant dense<0.000000e+00> : vector<1792x128xf32>
    %dot_general3A_226 = tpu.matmul %reshape3A_219, %get3A_224, %dot_general3A_225 {dimension_numbers = #tpu.dot_dimension_numbers<[1], [0], [0], [1], [0, 0, 1, 1], [], []>, transpose_lhs_hint = false} : vector<1792x128xf32>, vector<128x128xf32>, vector<1792x128xf32> -> vector<1792x128xf32>
    %add3A_227 = arith.addf %add3A_201, %dot_general3A_226 : vector<1792x128xf32>
    %slice3A_228 = vector.extract_strided_slice %concatenate3A_17 {offsets = [0, 2, 0, 0], sizes = [32, 1, 18, 128], strides = [1, 1, 1, 1]} : vector<32x16x18x128xf32> to vector<32x1x18x128xf32>
    %slice3A_229 = vector.extract_strided_slice %concatenate3A_17 {offsets = [0, 4, 0, 0], sizes = [32, 1, 18, 128], strides = [1, 1, 1, 1]} : vector<32x16x18x128xf32> to vector<32x1x18x128xf32>
    %slice3A_230 = vector.extract_strided_slice %concatenate3A_17 {offsets = [0, 6, 0, 0], sizes = [32, 1, 18, 128], strides = [1, 1, 1, 1]} : vector<32x16x18x128xf32> to vector<32x1x18x128xf32>
    %slice3A_231 = vector.extract_strided_slice %concatenate3A_17 {offsets = [0, 8, 0, 0], sizes = [32, 1, 18, 128], strides = [1, 1, 1, 1]} : vector<32x16x18x128xf32> to vector<32x1x18x128xf32>
    %slice3A_232 = vector.extract_strided_slice %concatenate3A_17 {offsets = [0, 10, 0, 0], sizes = [32, 1, 18, 128], strides = [1, 1, 1, 1]} : vector<32x16x18x128xf32> to vector<32x1x18x128xf32>
    %slice3A_233 = vector.extract_strided_slice %concatenate3A_17 {offsets = [0, 12, 0, 0], sizes = [32, 1, 18, 128], strides = [1, 1, 1, 1]} : vector<32x16x18x128xf32> to vector<32x1x18x128xf32>
    %slice3A_234 = vector.extract_strided_slice %concatenate3A_17 {offsets = [0, 14, 0, 0], sizes = [32, 1, 18, 128], strides = [1, 1, 1, 1]} : vector<32x16x18x128xf32> to vector<32x1x18x128xf32>
    %concatenate3A_235 = tpu.concatenate %slice3A_228, %slice3A_229, %slice3A_230, %slice3A_231, %slice3A_232, %slice3A_233, %slice3A_234 in 1 : vector<32x1x18x128xf32>, vector<32x1x18x128xf32>, vector<32x1x18x128xf32>, vector<32x1x18x128xf32>, vector<32x1x18x128xf32>, vector<32x1x18x128xf32>, vector<32x1x18x128xf32> -> vector<32x7x18x128xf32>
    %slice3A_236 = vector.extract_strided_slice %concatenate3A_235 {offsets = [0, 0, 2, 0], sizes = [32, 7, 1, 128], strides = [1, 1, 1, 1]} : vector<32x7x18x128xf32> to vector<32x7x1x128xf32>
    %slice3A_237 = vector.extract_strided_slice %concatenate3A_235 {offsets = [0, 0, 4, 0], sizes = [32, 7, 1, 128], strides = [1, 1, 1, 1]} : vector<32x7x18x128xf32> to vector<32x7x1x128xf32>
    %slice3A_238 = vector.extract_strided_slice %concatenate3A_235 {offsets = [0, 0, 6, 0], sizes = [32, 7, 1, 128], strides = [1, 1, 1, 1]} : vector<32x7x18x128xf32> to vector<32x7x1x128xf32>
    %slice3A_239 = vector.extract_strided_slice %concatenate3A_235 {offsets = [0, 0, 8, 0], sizes = [32, 7, 1, 128], strides = [1, 1, 1, 1]} : vector<32x7x18x128xf32> to vector<32x7x1x128xf32>
    %slice3A_240 = vector.extract_strided_slice %concatenate3A_235 {offsets = [0, 0, 10, 0], sizes = [32, 7, 1, 128], strides = [1, 1, 1, 1]} : vector<32x7x18x128xf32> to vector<32x7x1x128xf32>
    %slice3A_241 = vector.extract_strided_slice %concatenate3A_235 {offsets = [0, 0, 12, 0], sizes = [32, 7, 1, 128], strides = [1, 1, 1, 1]} : vector<32x7x18x128xf32> to vector<32x7x1x128xf32>
    %slice3A_242 = vector.extract_strided_slice %concatenate3A_235 {offsets = [0, 0, 14, 0], sizes = [32, 7, 1, 128], strides = [1, 1, 1, 1]} : vector<32x7x18x128xf32> to vector<32x7x1x128xf32>
    %slice3A_243 = vector.extract_strided_slice %concatenate3A_235 {offsets = [0, 0, 0, 0], sizes = [32, 7, 1, 128], strides = [1, 1, 1, 1]} : vector<32x7x18x128xf32> to vector<32x7x1x128xf32>
    %concatenate3A_244 = tpu.concatenate %slice3A_236, %slice3A_237, %slice3A_238, %slice3A_239, %slice3A_240, %slice3A_241, %slice3A_242, %slice3A_243 in 2 : vector<32x7x1x128xf32>, vector<32x7x1x128xf32>, vector<32x7x1x128xf32>, vector<32x7x1x128xf32>, vector<32x7x1x128xf32>, vector<32x7x1x128xf32>, vector<32x7x1x128xf32>, vector<32x7x1x128xf32> -> vector<32x7x8x128xf32>
    %reshape3A_245 = vector.shape_cast %concatenate3A_244 : vector<32x7x8x128xf32> to vector<1792x128xf32>
    %get3A_246 = arith.constant 8 : index
    %get3A_247 = arith.constant 0 : index
    %get3A_248 = arith.constant 0 : index
    %get3A_249 = vector.load %arg4[%get3A_246, %get3A_247, %get3A_248] : memref<9x128x128xf32, #tpu.memory_space<vmem>>, vector<1x128x128xf32>
    %get3A_250 = vector.shape_cast %get3A_249 : vector<1x128x128xf32> to vector<128x128xf32>
    %dot_general3A_251 = arith.constant dense<0.000000e+00> : vector<1792x128xf32>
    %dot_general3A_252 = tpu.matmul %reshape3A_245, %get3A_250, %dot_general3A_251 {dimension_numbers = #tpu.dot_dimension_numbers<[1], [0], [0], [1], [0, 0, 1, 1], [], []>, transpose_lhs_hint = false} : vector<1792x128xf32>, vector<128x128xf32>, vector<1792x128xf32> -> vector<1792x128xf32>
    %add3A_253 = arith.addf %add3A_227, %dot_general3A_252 : vector<1792x128xf32>
    %get3A_254 = arith.constant 0 : index
    %get3A_255 = arith.constant 0 : index
    %get3A_256 = vector.load %arg5[%get3A_254, %get3A_255] : memref<1x128xf32, #tpu.memory_space<vmem>>, vector<1x128xf32>
    %add3A_257 = vector.broadcast %get3A_256 : vector<1x128xf32> to vector<1792x128xf32>
    %add3A_258 = arith.addf %add3A_253, %add3A_257 : vector<1792x128xf32>
    %swap3A = arith.constant 0 : index
    %swap3A_259 = arith.constant 0 : index
    %swap3A_260 = vector.load %arg6[%swap3A, %swap3A_259] : memref<1792x128xf32, #tpu.memory_space<vmem>>, vector<1792x128xf32>
    tpu.vector_store %arg6[%swap3A, %swap3A_259], %add3A_258 {strides = array<i32>} : memref<1792x128xf32, #tpu.memory_space<vmem>>, vector<1792x128xf32>,
    return
  }
  func.func @transform_0(%arg0: i32) -> (i32, i32) {
    %c0_i32 = arith.constant 0 : i32
    %c0_i32_0 = arith.constant 0 : i32
    return %arg0, %c0_i32 : i32, i32
  }
  func.func @transform_1(%arg0: i32) -> (i32, i32) {
    %c0_i32 = arith.constant 0 : i32
    %c0_i32_0 = arith.constant 0 : i32
    %c0_i32_1 = arith.constant 0 : i32
    return %c0_i32, %c0_i32_0 : i32, i32
  }
  func.func @transform_2(%arg0: i32) -> (i32, i32) {
    %c0_i32 = arith.constant 0 : i32
    %c0_i32_0 = arith.constant 0 : i32
    %c0_i32_1 = arith.constant 0 : i32
    return %c0_i32, %c0_i32_0 : i32, i32
  }
  func.func @transform_3(%arg0: i32) -> (i32, i32, i32) {
    %c0_i32 = arith.constant 0 : i32
    %c0_i32_0 = arith.constant 0 : i32
    %c0_i32_1 = arith.constant 0 : i32
    %c0_i32_2 = arith.constant 0 : i32
    return %c0_i32, %c0_i32_0, %c0_i32_1 : i32, i32, i32
  }
  func.func @transform_4(%arg0: i32) -> (i32, i32) {
    %c0_i32 = arith.constant 0 : i32
    %c0_i32_0 = arith.constant 0 : i32
    %c0_i32_1 = arith.constant 0 : i32
    return %c0_i32, %c0_i32_0 : i32, i32
  }
  func.func @transform_5(%arg0: i32) -> (i32, i32) {
    %c0_i32 = arith.constant 0 : i32
    %c0_i32_0 = arith.constant 0 : i32
    return %arg0, %c0_i32 : i32, i32
  }
}

module attributes {stable_mosaic.version = 14 : i64} {
  func.func @_vq_body(%arg0: i32, %arg1: memref<1x128xi32, #tpu.memory_space<vmem>>, %arg2: memref<256x6272xf32, #tpu.memory_space<vmem>>, %arg3: memref<6272x128xf32, #tpu.memory_space<vmem>>, %arg4: memref<1x128xi32, #tpu.memory_space<vmem>>, %arg5: memref<1x128xf32, #tpu.memory_space<vmem>>, %arg6: memref<1x128xi32, #tpu.memory_space<vmem>>) attributes {dimension_semantics = [#tpu.dimension_semantics<arbitrary>], iteration_bounds = array<i64: 15>, scalar_prefetch = 0 : i64, scratch_operands = 2 : i64, tpu.core_type = #tpu.core_type<tc>, window_params = [{pipeline_mode = #tpu.pipeline_mode<synchronous>, transform_indices = @transform_0, window_bounds = array<i64: 1, 128>}, {transform_indices = @transform_1, window_bounds = array<i64: 256, 6272>}, {pipeline_mode = #tpu.pipeline_mode<synchronous>, transform_indices = @transform_2, window_bounds = array<i64: 6272, 128>}, {pipeline_mode = #tpu.pipeline_mode<synchronous>, transform_indices = @transform_3, window_bounds = array<i64: 1, 128>}]} {
    %get3A = arith.constant 0 : index
    %get3A_0 = arith.constant 0 : index
    %get3A_1 = vector.load %arg2[%get3A, %get3A_0] : memref<256x6272xf32, #tpu.memory_space<vmem>>, vector<256x6272xf32>
    %mul3A = arith.mulf %get3A_1, %get3A_1 : vector<256x6272xf32>
    %reduce_sum3A = arith.constant dense<0.000000e+00> : vector<256xf32>
    %reduce_sum3A_2 = vector.multi_reduction <add>, %mul3A, %reduce_sum3A [1] : vector<256x6272xf32> to vector<256xf32>
    %broadcast_in_dim3A = vector.shape_cast %reduce_sum3A_2 : vector<256xf32> to vector<256x1xf32>
    %get3A_3 = arith.constant 0 : index
    %get3A_4 = arith.constant 0 : index
    %get3A_5 = vector.load %arg3[%get3A_3, %get3A_4] : memref<6272x128xf32, #tpu.memory_space<vmem>>, vector<6272x128xf32>
    %dot_general3A = arith.constant dense<0.000000e+00> : vector<256x128xf32>
    %dot_general3A_6 = tpu.matmul %get3A_1, %get3A_5, %dot_general3A {dimension_numbers = #tpu.dot_dimension_numbers<[1], [0], [0], [1], [0, 0, 1, 1], [], []>, transpose_lhs_hint = false} : vector<256x6272xf32>, vector<6272x128xf32>, vector<256x128xf32> -> vector<256x128xf32>
    %mul3A_7 = arith.constant 2.000000e+00 : f32
    %mul3A_8 = vector.broadcast %mul3A_7 : f32 to vector<256x128xf32>
    %mul3A_9 = arith.mulf %mul3A_8, %dot_general3A_6 : vector<256x128xf32>
    %sub3A = vector.broadcast %broadcast_in_dim3A : vector<256x1xf32> to vector<256x128xf32>
    %sub3A_10 = arith.subf %sub3A, %mul3A_9 : vector<256x128xf32>
    %iota3A = tpu.iota {dimensions = array<i32: 0>} : vector<256x128xi32>
    %mul3A_11 = arith.constant 4 : i32
    %mul3A_12 = arith.muli %arg0, %mul3A_11 : i32
    %jit3A = arith.constant 64 : i32
    %div3A = vector.broadcast %jit3A : i32 to vector<256x128xi32>
    %div3A_13 = arith.divsi %iota3A, %div3A : vector<256x128xi32>
    %sign3A = arith.constant 0 : i32
    %sign3A_14 = vector.broadcast %sign3A : i32 to vector<256x128xi32>
    %sign3A_15 = arith.cmpi sgt, %iota3A, %sign3A_14 : vector<256x128xi32>
    %sign3A_16 = arith.extui %sign3A_15 : vector<256x128xi1> to vector<256x128xi32>
    %sign3A_17 = arith.constant 0 : i32
    %sign3A_18 = vector.broadcast %sign3A_17 : i32 to vector<256x128xi32>
    %sign3A_19 = arith.cmpi slt, %iota3A, %sign3A_18 : vector<256x128xi32>
    %sign3A_20 = arith.extui %sign3A_19 : vector<256x128xi1> to vector<256x128xi32>
    %sign3A_21 = arith.subi %sign3A_16, %sign3A_20 : vector<256x128xi32>
    %sign3A_22 = arith.constant 0 : i32
    %sign3A_23 = arith.cmpi sgt, %jit3A, %sign3A_22 : i32
    %sign3A_24 = arith.extui %sign3A_23 : i1 to i32
    %sign3A_25 = arith.constant 0 : i32
    %sign3A_26 = arith.cmpi slt, %jit3A, %sign3A_25 : i32
    %sign3A_27 = arith.extui %sign3A_26 : i1 to i32
    %sign3A_28 = arith.subi %sign3A_24, %sign3A_27 : i32
    %ne3A = vector.broadcast %sign3A_28 : i32 to vector<256x128xi32>
    %ne3A_29 = arith.cmpi ne, %sign3A_21, %ne3A : vector<256x128xi32>
    %rem3A = vector.broadcast %jit3A : i32 to vector<256x128xi32>
    %rem3A_30 = arith.remsi %iota3A, %rem3A : vector<256x128xi32>
    %ne3A_31 = arith.constant 0 : i32
    %ne3A_32 = vector.broadcast %ne3A_31 : i32 to vector<256x128xi32>
    %ne3A_33 = arith.cmpi ne, %rem3A_30, %ne3A_32 : vector<256x128xi32>
    %and3A = arith.andi %ne3A_29, %ne3A_33 : vector<256x128xi1>
    %sub3A_34 = arith.constant 1 : i32
    %sub3A_35 = vector.broadcast %sub3A_34 : i32 to vector<256x128xi32>
    %sub3A_36 = arith.subi %div3A_13, %sub3A_35 : vector<256x128xi32>
    %select_n3A = arith.select %and3A, %sub3A_36, %div3A_13 : vector<256x128xi1>, vector<256x128xi32>
    %add3A = vector.broadcast %mul3A_12 : i32 to vector<256x128xi32>
    %add3A_37 = arith.addi %add3A, %select_n3A : vector<256x128xi32>
    %get3A_38 = arith.constant 0 : index
    %get3A_39 = arith.constant 0 : index
    %get3A_40 = vector.load %arg1[%get3A_38, %get3A_39] : memref<1x128xi32, #tpu.memory_space<vmem>>, vector<1x128xi32>
    %eq3A = vector.broadcast %get3A_40 : vector<1x128xi32> to vector<256x128xi32>
    %eq3A_41 = arith.cmpi eq, %add3A_37, %eq3A : vector<256x128xi32>
    %jit3A_42 = arith.constant 0x7F800000 : f32
    %broadcast_in_dim3A_43 = vector.broadcast %jit3A_42 : f32 to vector<256x128xf32>
    %select_n3A_44 = arith.select %eq3A_41, %sub3A_10, %broadcast_in_dim3A_43 : vector<256x128xi1>, vector<256x128xf32>
    %reduce_min3A = arith.constant dense<0x7F800000> : vector<128xf32>
    %reduce_min3A_45 = vector.multi_reduction <minimumf>, %select_n3A_44, %reduce_min3A [0] : vector<256x128xf32> to vector<128xf32>
    %broadcast_in_dim3A_46 = vector.shape_cast %reduce_min3A_45 : vector<128xf32> to vector<1x128xf32>
    %eq3A_47 = vector.broadcast %broadcast_in_dim3A_46 : vector<1x128xf32> to vector<256x128xf32>
    %eq3A_48 = arith.cmpf oeq, %select_n3A_44, %eq3A_47 : vector<256x128xf32>
    %jit3A_49 = arith.constant 256 : i32
    %broadcast_in_dim3A_50 = vector.broadcast %jit3A_49 : i32 to vector<256x128xi32>
    %select_n3A_51 = arith.select %eq3A_48, %iota3A, %broadcast_in_dim3A_50 : vector<256x128xi1>, vector<256x128xi32>
    %reduce_min3A_52 = arith.constant dense<2147483647> : vector<128xi32>
    %reduce_min3A_53 = vector.multi_reduction <minsi>, %select_n3A_51, %reduce_min3A_52 [0] : vector<256x128xi32> to vector<128xi32>
    %broadcast_in_dim3A_54 = vector.shape_cast %reduce_min3A_53 : vector<128xi32> to vector<1x128xi32>
    %mul3A_55 = arith.constant 256 : i32
    %mul3A_56 = arith.muli %arg0, %mul3A_55 : i32
    %add3A_57 = vector.broadcast %mul3A_56 : i32 to vector<1x128xi32>
    %add3A_58 = arith.addi %add3A_57, %broadcast_in_dim3A_54 : vector<1x128xi32>
    %eq3A_59 = arith.constant 0 : i32
    %eq3A_60 = arith.cmpi eq, %arg0, %eq3A_59 : i32
    %convert_element_type3A = arith.extui %eq3A_60 : i1 to i32
    %cond3A = arith.constant 0 : i32
    %cond3A_61 = arith.cmpi ne, %convert_element_type3A, %cond3A : i32
    scf.if %cond3A_61 {
      %broadcast_in_dim3A_80 = arith.constant 0x7F800000 : f32
      %broadcast_in_dim3A_81 = vector.broadcast %broadcast_in_dim3A_80 : f32 to vector<1x128xf32>
      %swap3A_82 = arith.constant 0 : index
      %swap3A_83 = arith.constant 0 : index
      %swap3A_84 = vector.load %arg5[%swap3A_82, %swap3A_83] : memref<1x128xf32, #tpu.memory_space<vmem>>, vector<1x128xf32>
      tpu.vector_store %arg5[%swap3A_82, %swap3A_83], %broadcast_in_dim3A_81 {strides = array<i32>} : memref<1x128xf32, #tpu.memory_space<vmem>>, vector<1x128xf32>,
      %broadcast_in_dim3A_85 = arith.constant 0 : i32
      %broadcast_in_dim3A_86 = vector.broadcast %broadcast_in_dim3A_85 : i32 to vector<1x128xi32>
      %swap3A_87 = arith.constant 0 : index
      %swap3A_88 = arith.constant 0 : index
      %swap3A_89 = vector.load %arg6[%swap3A_87, %swap3A_88] : memref<1x128xi32, #tpu.memory_space<vmem>>, vector<1x128xi32>
      tpu.vector_store %arg6[%swap3A_87, %swap3A_88], %broadcast_in_dim3A_86 {strides = array<i32>} : memref<1x128xi32, #tpu.memory_space<vmem>>, vector<1x128xi32>,
    } else {
    }
    %get3A_62 = arith.constant 0 : index
    %get3A_63 = arith.constant 0 : index
    %get3A_64 = vector.load %arg5[%get3A_62, %get3A_63] : memref<1x128xf32, #tpu.memory_space<vmem>>, vector<1x128xf32>
    %lt3A = arith.cmpf olt, %broadcast_in_dim3A_46, %get3A_64 : vector<1x128xf32>
    %select_n3A_65 = arith.select %lt3A, %broadcast_in_dim3A_46, %get3A_64 : vector<1x128xi1>, vector<1x128xf32>
    %swap3A = arith.constant 0 : index
    %swap3A_66 = arith.constant 0 : index
    %swap3A_67 = vector.load %arg5[%swap3A, %swap3A_66] : memref<1x128xf32, #tpu.memory_space<vmem>>, vector<1x128xf32>
    tpu.vector_store %arg5[%swap3A, %swap3A_66], %select_n3A_65 {strides = array<i32>} : memref<1x128xf32, #tpu.memory_space<vmem>>, vector<1x128xf32>,
    %get3A_68 = arith.constant 0 : index
    %get3A_69 = arith.constant 0 : index
    %get3A_70 = vector.load %arg6[%get3A_68, %get3A_69] : memref<1x128xi32, #tpu.memory_space<vmem>>, vector<1x128xi32>
    %select_n3A_71 = arith.select %lt3A, %add3A_58, %get3A_70 : vector<1x128xi1>, vector<1x128xi32>
    %swap3A_72 = arith.constant 0 : index
    %swap3A_73 = arith.constant 0 : index
    %swap3A_74 = vector.load %arg6[%swap3A_72, %swap3A_73] : memref<1x128xi32, #tpu.memory_space<vmem>>, vector<1x128xi32>
    tpu.vector_store %arg6[%swap3A_72, %swap3A_73], %select_n3A_71 {strides = array<i32>} : memref<1x128xi32, #tpu.memory_space<vmem>>, vector<1x128xi32>,
    %eq3A_75 = arith.constant 14 : i32
    %eq3A_76 = arith.cmpi eq, %arg0, %eq3A_75 : i32
    %convert_element_type3A_77 = arith.extui %eq3A_76 : i1 to i32
    %cond3A_78 = arith.constant 0 : i32
    %cond3A_79 = arith.cmpi ne, %convert_element_type3A_77, %cond3A_78 : i32
    scf.if %cond3A_79 {
      %get3A_80 = arith.constant 0 : index
      %get3A_81 = arith.constant 0 : index
      %get3A_82 = vector.load %arg6[%get3A_80, %get3A_81] : memref<1x128xi32, #tpu.memory_space<vmem>>, vector<1x128xi32>
      %swap3A_83 = arith.constant 0 : index
      %swap3A_84 = arith.constant 0 : index
      %swap3A_85 = vector.load %arg4[%swap3A_83, %swap3A_84] : memref<1x128xi32, #tpu.memory_space<vmem>>, vector<1x128xi32>
      tpu.vector_store %arg4[%swap3A_83, %swap3A_84], %get3A_82 {strides = array<i32>} : memref<1x128xi32, #tpu.memory_space<vmem>>, vector<1x128xi32>,
    } else {
    }
    return
  }
  func.func @transform_0(%arg0: i32) -> (i32, i32) {
    %c0_i32 = arith.constant 0 : i32
    %c0_i32_0 = arith.constant 0 : i32
    %c0_i32_1 = arith.constant 0 : i32
    return %c0_i32, %c0_i32_0 : i32, i32
  }
  func.func @transform_1(%arg0: i32) -> (i32, i32) {
    %c0_i32 = arith.constant 0 : i32
    %c0_i32_0 = arith.constant 0 : i32
    return %arg0, %c0_i32 : i32, i32
  }
  func.func @transform_2(%arg0: i32) -> (i32, i32) {
    %c0_i32 = arith.constant 0 : i32
    %c0_i32_0 = arith.constant 0 : i32
    %c0_i32_1 = arith.constant 0 : i32
    return %c0_i32, %c0_i32_0 : i32, i32
  }
  func.func @transform_3(%arg0: i32) -> (i32, i32) {
    %c0_i32 = arith.constant 0 : i32
    %c0_i32_0 = arith.constant 0 : i32
    %c0_i32_1 = arith.constant 0 : i32
    return %c0_i32, %c0_i32_0 : i32, i32
  }
}

module attributes {stable_mosaic.version = 14 : i64} {
  func.func @_dec_body(%arg0: i32, %arg1: memref<16x7x7x128xf32, #tpu.memory_space<vmem>>, %arg2: memref<1152x128xbf16, #tpu.memory_space<vmem>>, %arg3: memref<1x128xf32, #tpu.memory_space<vmem>>, %arg4: memref<1152x128xbf16, #tpu.memory_space<vmem>>, %arg5: memref<1x128xf32, #tpu.memory_space<vmem>>, %arg6: memref<128x9xf32, #tpu.memory_space<vmem>>, %arg7: memref<1x1xf32, #tpu.memory_space<vmem>>, %arg8: memref<9216x1xf32, #tpu.memory_space<vmem>>) attributes {dimension_semantics = [#tpu.dimension_semantics<arbitrary>], iteration_bounds = array<i64: 8>, scalar_prefetch = 0 : i64, scratch_operands = 0 : i64, tpu.core_type = #tpu.core_type<tc>, window_params = [{transform_indices = @transform_0, window_bounds = array<i64: 16, 7, 7, 128>}, {pipeline_mode = #tpu.pipeline_mode<synchronous>, transform_indices = @transform_1, window_bounds = array<i64: 1152, 128>}, {pipeline_mode = #tpu.pipeline_mode<synchronous>, transform_indices = @transform_2, window_bounds = array<i64: 1, 128>}, {pipeline_mode = #tpu.pipeline_mode<synchronous>, transform_indices = @transform_3, window_bounds = array<i64: 1152, 128>}, {pipeline_mode = #tpu.pipeline_mode<synchronous>, transform_indices = @transform_4, window_bounds = array<i64: 1, 128>}, {pipeline_mode = #tpu.pipeline_mode<synchronous>, transform_indices = @transform_5, window_bounds = array<i64: 128, 9>}, {pipeline_mode = #tpu.pipeline_mode<synchronous>, transform_indices = @transform_6, window_bounds = array<i64: 1, 1>}, {transform_indices = @transform_7, window_bounds = array<i64: 9216, 1>}]} {
    %get3A = arith.constant 0 : index
    %get3A_0 = arith.constant 0 : index
    %get3A_1 = arith.constant 0 : index
    %get3A_2 = arith.constant 0 : index
    %get3A_3 = vector.load %arg1[%get3A, %get3A_0, %get3A_1, %get3A_2] : memref<16x7x7x128xf32, #tpu.memory_space<vmem>>, vector<16x7x7x128xf32>
    %convert_element_type3A = arith.truncf %get3A_3 : vector<16x7x7x128xf32> to vector<16x7x7x128xbf16>
    %slice3A = vector.extract_strided_slice %convert_element_type3A {offsets = [0, 0, 0, 0], sizes = [16, 7, 1, 128], strides = [1, 1, 1, 1]} : vector<16x7x7x128xbf16> to vector<16x7x1x128xbf16>
    %mul3A = arith.constant 1.000000e+00 : bf16
    %mul3A_4 = vector.broadcast %mul3A : bf16 to vector<16x7x1x128xbf16>
    %mul3A_5 = arith.mulf %slice3A, %mul3A_4 : vector<16x7x1x128xbf16>
    %slice3A_6 = vector.extract_strided_slice %convert_element_type3A {offsets = [0, 0, 1, 0], sizes = [16, 7, 1, 128], strides = [1, 1, 1, 1]} : vector<16x7x7x128xbf16> to vector<16x7x1x128xbf16>
    %mul3A_7 = arith.constant 0.000000e+00 : bf16
    %mul3A_8 = vector.broadcast %mul3A_7 : bf16 to vector<16x7x1x128xbf16>
    %mul3A_9 = arith.mulf %slice3A_6, %mul3A_8 : vector<16x7x1x128xbf16>
    %add3A = arith.addf %mul3A_5, %mul3A_9 : vector<16x7x1x128xbf16>
    %slice3A_10 = vector.extract_strided_slice %convert_element_type3A {offsets = [0, 0, 0, 0], sizes = [16, 7, 1, 128], strides = [1, 1, 1, 1]} : vector<16x7x7x128xbf16> to vector<16x7x1x128xbf16>
    %mul3A_11 = arith.constant 5.390630e-01 : bf16
    %mul3A_12 = vector.broadcast %mul3A_11 : bf16 to vector<16x7x1x128xbf16>
    %mul3A_13 = arith.mulf %slice3A_10, %mul3A_12 : vector<16x7x1x128xbf16>
    %slice3A_14 = vector.extract_strided_slice %convert_element_type3A {offsets = [0, 0, 1, 0], sizes = [16, 7, 1, 128], strides = [1, 1, 1, 1]} : vector<16x7x7x128xbf16> to vector<16x7x1x128xbf16>
    %mul3A_15 = arith.constant 4.609380e-01 : bf16
    %mul3A_16 = vector.broadcast %mul3A_15 : bf16 to vector<16x7x1x128xbf16>
    %mul3A_17 = arith.mulf %slice3A_14, %mul3A_16 : vector<16x7x1x128xbf16>
    %add3A_18 = arith.addf %mul3A_13, %mul3A_17 : vector<16x7x1x128xbf16>
    %slice3A_19 = vector.extract_strided_slice %convert_element_type3A {offsets = [0, 0, 0, 0], sizes = [16, 7, 1, 128], strides = [1, 1, 1, 1]} : vector<16x7x7x128xbf16> to vector<16x7x1x128xbf16>
    %mul3A_20 = arith.constant 7.714840e-02 : bf16
    %mul3A_21 = vector.broadcast %mul3A_20 : bf16 to vector<16x7x1x128xbf16>
    %mul3A_22 = arith.mulf %slice3A_19, %mul3A_21 : vector<16x7x1x128xbf16>
    %slice3A_23 = vector.extract_strided_slice %convert_element_type3A {offsets = [0, 0, 1, 0], sizes = [16, 7, 1, 128], strides = [1, 1, 1, 1]} : vector<16x7x7x128xbf16> to vector<16x7x1x128xbf16>
    %mul3A_24 = arith.constant 9.218750e-01 : bf16
    %mul3A_25 = vector.broadcast %mul3A_24 : bf16 to vector<16x7x1x128xbf16>
    %mul3A_26 = arith.mulf %slice3A_23, %mul3A_25 : vector<16x7x1x128xbf16>
    %add3A_27 = arith.addf %mul3A_22, %mul3A_26 : vector<16x7x1x128xbf16>
    %slice3A_28 = vector.extract_strided_slice %convert_element_type3A {offsets = [0, 0, 1, 0], sizes = [16, 7, 1, 128], strides = [1, 1, 1, 1]} : vector<16x7x7x128xbf16> to vector<16x7x1x128xbf16>
    %mul3A_29 = arith.constant 6.171880e-01 : bf16
    %mul3A_30 = vector.broadcast %mul3A_29 : bf16 to vector<16x7x1x128xbf16>
    %mul3A_31 = arith.mulf %slice3A_28, %mul3A_30 : vector<16x7x1x128xbf16>
    %slice3A_32 = vector.extract_strided_slice %convert_element_type3A {offsets = [0, 0, 2, 0], sizes = [16, 7, 1, 128], strides = [1, 1, 1, 1]} : vector<16x7x7x128xbf16> to vector<16x7x1x128xbf16>
    %mul3A_33 = arith.constant 3.847660e-01 : bf16
    %mul3A_34 = vector.broadcast %mul3A_33 : bf16 to vector<16x7x1x128xbf16>
    %mul3A_35 = arith.mulf %slice3A_32, %mul3A_34 : vector<16x7x1x128xbf16>
    %add3A_36 = arith.addf %mul3A_31, %mul3A_35 : vector<16x7x1x128xbf16>
    %slice3A_37 = vector.extract_strided_slice %convert_element_type3A {offsets = [0, 0, 1, 0], sizes = [16, 7, 1, 128], strides = [1, 1, 1, 1]} : vector<16x7x7x128xbf16> to vector<16x7x1x128xbf16>
    %mul3A_38 = arith.constant 1.542970e-01 : bf16
    %mul3A_39 = vector.broadcast %mul3A_38 : bf16 to vector<16x7x1x128xbf16>
    %mul3A_40 = arith.mulf %slice3A_37, %mul3A_39 : vector<16x7x1x128xbf16>
    %slice3A_41 = vector.extract_strided_slice %convert_element_type3A {offsets = [0, 0, 2, 0], sizes = [16, 7, 1, 128], strides = [1, 1, 1, 1]} : vector<16x7x7x128xbf16> to vector<16x7x1x128xbf16>
    %mul3A_42 = arith.constant 8.476560e-01 : bf16
    %mul3A_43 = vector.broadcast %mul3A_42 : bf16 to vector<16x7x1x128xbf16>
    %mul3A_44 = arith.mulf %slice3A_41, %mul3A_43 : vector<16x7x1x128xbf16>
    %add3A_45 = arith.addf %mul3A_40, %mul3A_44 : vector<16x7x1x128xbf16>
    %slice3A_46 = vector.extract_strided_slice %convert_element_type3A {offsets = [0, 0, 2, 0], sizes = [16, 7, 1, 128], strides = [1, 1, 1, 1]} : vector<16x7x7x128xbf16> to vector<16x7x1x128xbf16>
    %mul3A_47 = arith.constant 6.914060e-01 : bf16
    %mul3A_48 = vector.broadcast %mul3A_47 : bf16 to vector<16x7x1x128xbf16>
    %mul3A_49 = arith.mulf %slice3A_46, %mul3A_48 : vector<16x7x1x128xbf16>
    %slice3A_50 = vector.extract_strided_slice %convert_element_type3A {offsets = [0, 0, 3, 0], sizes = [16, 7, 1, 128], strides = [1, 1, 1, 1]} : vector<16x7x7x128xbf16> to vector<16x7x1x128xbf16>
    %mul3A_51 = arith.constant 3.085940e-01 : bf16
    %mul3A_52 = vector.broadcast %mul3A_51 : bf16 to vector<16x7x1x128xbf16>
    %mul3A_53 = arith.mulf %slice3A_50, %mul3A_52 : vector<16x7x1x128xbf16>
    %add3A_54 = arith.addf %mul3A_49, %mul3A_53 : vector<16x7x1x128xbf16>
    %slice3A_55 = vector.extract_strided_slice %convert_element_type3A {offsets = [0, 0, 2, 0], sizes = [16, 7, 1, 128], strides = [1, 1, 1, 1]} : vector<16x7x7x128xbf16> to vector<16x7x1x128xbf16>
    %mul3A_56 = arith.constant 2.304690e-01 : bf16
    %mul3A_57 = vector.broadcast %mul3A_56 : bf16 to vector<16x7x1x128xbf16>
    %mul3A_58 = arith.mulf %slice3A_55, %mul3A_57 : vector<16x7x1x128xbf16>
    %slice3A_59 = vector.extract_strided_slice %convert_element_type3A {offsets = [0, 0, 3, 0], sizes = [16, 7, 1, 128], strides = [1, 1, 1, 1]} : vector<16x7x7x128xbf16> to vector<16x7x1x128xbf16>
    %mul3A_60 = arith.constant 7.695310e-01 : bf16
    %mul3A_61 = vector.broadcast %mul3A_60 : bf16 to vector<16x7x1x128xbf16>
    %mul3A_62 = arith.mulf %slice3A_59, %mul3A_61 : vector<16x7x1x128xbf16>
    %add3A_63 = arith.addf %mul3A_58, %mul3A_62 : vector<16x7x1x128xbf16>
    %slice3A_64 = vector.extract_strided_slice %convert_element_type3A {offsets = [0, 0, 3, 0], sizes = [16, 7, 1, 128], strides = [1, 1, 1, 1]} : vector<16x7x7x128xbf16> to vector<16x7x1x128xbf16>
    %mul3A_65 = arith.constant 7.695310e-01 : bf16
    %mul3A_66 = vector.broadcast %mul3A_65 : bf16 to vector<16x7x1x128xbf16>
    %mul3A_67 = arith.mulf %slice3A_64, %mul3A_66 : vector<16x7x1x128xbf16>
    %slice3A_68 = vector.extract_strided_slice %convert_element_type3A {offsets = [0, 0, 4, 0], sizes = [16, 7, 1, 128], strides = [1, 1, 1, 1]} : vector<16x7x7x128xbf16> to vector<16x7x1x128xbf16>
    %mul3A_69 = arith.constant 2.304690e-01 : bf16
    %mul3A_70 = vector.broadcast %mul3A_69 : bf16 to vector<16x7x1x128xbf16>
    %mul3A_71 = arith.mulf %slice3A_68, %mul3A_70 : vector<16x7x1x128xbf16>
    %add3A_72 = arith.addf %mul3A_67, %mul3A_71 : vector<16x7x1x128xbf16>
    %slice3A_73 = vector.extract_strided_slice %convert_element_type3A {offsets = [0, 0, 3, 0], sizes = [16, 7, 1, 128], strides = [1, 1, 1, 1]} : vector<16x7x7x128xbf16> to vector<16x7x1x128xbf16>
    %mul3A_74 = arith.constant 3.085940e-01 : bf16
    %mul3A_75 = vector.broadcast %mul3A_74 : bf16 to vector<16x7x1x128xbf16>
    %mul3A_76 = arith.mulf %slice3A_73, %mul3A_75 : vector<16x7x1x128xbf16>
    %slice3A_77 = vector.extract_strided_slice %convert_element_type3A {offsets = [0, 0, 4, 0], sizes = [16, 7, 1, 128], strides = [1, 1, 1, 1]} : vector<16x7x7x128xbf16> to vector<16x7x1x128xbf16>
    %mul3A_78 = arith.constant 6.914060e-01 : bf16
    %mul3A_79 = vector.broadcast %mul3A_78 : bf16 to vector<16x7x1x128xbf16>
    %mul3A_80 = arith.mulf %slice3A_77, %mul3A_79 : vector<16x7x1x128xbf16>
    %add3A_81 = arith.addf %mul3A_76, %mul3A_80 : vector<16x7x1x128xbf16>
    %slice3A_82 = vector.extract_strided_slice %convert_element_type3A {offsets = [0, 0, 4, 0], sizes = [16, 7, 1, 128], strides = [1, 1, 1, 1]} : vector<16x7x7x128xbf16> to vector<16x7x1x128xbf16>
    %mul3A_83 = arith.constant 8.476560e-01 : bf16
    %mul3A_84 = vector.broadcast %mul3A_83 : bf16 to vector<16x7x1x128xbf16>
    %mul3A_85 = arith.mulf %slice3A_82, %mul3A_84 : vector<16x7x1x128xbf16>
    %slice3A_86 = vector.extract_strided_slice %convert_element_type3A {offsets = [0, 0, 5, 0], sizes = [16, 7, 1, 128], strides = [1, 1, 1, 1]} : vector<16x7x7x128xbf16> to vector<16x7x1x128xbf16>
    %mul3A_87 = arith.constant 1.542970e-01 : bf16
    %mul3A_88 = vector.broadcast %mul3A_87 : bf16 to vector<16x7x1x128xbf16>
    %mul3A_89 = arith.mulf %slice3A_86, %mul3A_88 : vector<16x7x1x128xbf16>
    %add3A_90 = arith.addf %mul3A_85, %mul3A_89 : vector<16x7x1x128xbf16>
    %slice3A_91 = vector.extract_strided_slice %convert_element_type3A {offsets = [0, 0, 4, 0], sizes = [16, 7, 1, 128], strides = [1, 1, 1, 1]} : vector<16x7x7x128xbf16> to vector<16x7x1x128xbf16>
    %mul3A_92 = arith.constant 3.847660e-01 : bf16
    %mul3A_93 = vector.broadcast %mul3A_92 : bf16 to vector<16x7x1x128xbf16>
    %mul3A_94 = arith.mulf %slice3A_91, %mul3A_93 : vector<16x7x1x128xbf16>
    %slice3A_95 = vector.extract_strided_slice %convert_element_type3A {offsets = [0, 0, 5, 0], sizes = [16, 7, 1, 128], strides = [1, 1, 1, 1]} : vector<16x7x7x128xbf16> to vector<16x7x1x128xbf16>
    %mul3A_96 = arith.constant 6.171880e-01 : bf16
    %mul3A_97 = vector.broadcast %mul3A_96 : bf16 to vector<16x7x1x128xbf16>
    %mul3A_98 = arith.mulf %slice3A_95, %mul3A_97 : vector<16x7x1x128xbf16>
    %add3A_99 = arith.addf %mul3A_94, %mul3A_98 : vector<16x7x1x128xbf16>
    %slice3A_100 = vector.extract_strided_slice %convert_element_type3A {offsets = [0, 0, 5, 0], sizes = [16, 7, 1, 128], strides = [1, 1, 1, 1]} : vector<16x7x7x128xbf16> to vector<16x7x1x128xbf16>
    %mul3A_101 = arith.constant 9.218750e-01 : bf16
    %mul3A_102 = vector.broadcast %mul3A_101 : bf16 to vector<16x7x1x128xbf16>
    %mul3A_103 = arith.mulf %slice3A_100, %mul3A_102 : vector<16x7x1x128xbf16>
    %slice3A_104 = vector.extract_strided_slice %convert_element_type3A {offsets = [0, 0, 6, 0], sizes = [16, 7, 1, 128], strides = [1, 1, 1, 1]} : vector<16x7x7x128xbf16> to vector<16x7x1x128xbf16>
    %mul3A_105 = arith.constant 7.714840e-02 : bf16
    %mul3A_106 = vector.broadcast %mul3A_105 : bf16 to vector<16x7x1x128xbf16>
    %mul3A_107 = arith.mulf %slice3A_104, %mul3A_106 : vector<16x7x1x128xbf16>
    %add3A_108 = arith.addf %mul3A_103, %mul3A_107 : vector<16x7x1x128xbf16>
    %slice3A_109 = vector.extract_strided_slice %convert_element_type3A {offsets = [0, 0, 5, 0], sizes = [16, 7, 1, 128], strides = [1, 1, 1, 1]} : vector<16x7x7x128xbf16> to vector<16x7x1x128xbf16>
    %mul3A_110 = arith.constant 4.609380e-01 : bf16
    %mul3A_111 = vector.broadcast %mul3A_110 : bf16 to vector<16x7x1x128xbf16>
    %mul3A_112 = arith.mulf %slice3A_109, %mul3A_111 : vector<16x7x1x128xbf16>
    %slice3A_113 = vector.extract_strided_slice %convert_element_type3A {offsets = [0, 0, 6, 0], sizes = [16, 7, 1, 128], strides = [1, 1, 1, 1]} : vector<16x7x7x128xbf16> to vector<16x7x1x128xbf16>
    %mul3A_114 = arith.constant 5.390630e-01 : bf16
    %mul3A_115 = vector.broadcast %mul3A_114 : bf16 to vector<16x7x1x128xbf16>
    %mul3A_116 = arith.mulf %slice3A_113, %mul3A_115 : vector<16x7x1x128xbf16>
    %add3A_117 = arith.addf %mul3A_112, %mul3A_116 : vector<16x7x1x128xbf16>
    %slice3A_118 = vector.extract_strided_slice %convert_element_type3A {offsets = [0, 0, 6, 0], sizes = [16, 7, 1, 128], strides = [1, 1, 1, 1]} : vector<16x7x7x128xbf16> to vector<16x7x1x128xbf16>
    %mul3A_119 = arith.constant 1.000000e+00 : bf16
    %mul3A_120 = vector.broadcast %mul3A_119 : bf16 to vector<16x7x1x128xbf16>
    %mul3A_121 = arith.mulf %slice3A_118, %mul3A_120 : vector<16x7x1x128xbf16>
    %slice3A_122 = vector.extract_strided_slice %convert_element_type3A {offsets = [0, 0, 6, 0], sizes = [16, 7, 1, 128], strides = [1, 1, 1, 1]} : vector<16x7x7x128xbf16> to vector<16x7x1x128xbf16>
    %mul3A_123 = arith.constant 0.000000e+00 : bf16
    %mul3A_124 = vector.broadcast %mul3A_123 : bf16 to vector<16x7x1x128xbf16>
    %mul3A_125 = arith.mulf %slice3A_122, %mul3A_124 : vector<16x7x1x128xbf16>
    %add3A_126 = arith.addf %mul3A_121, %mul3A_125 : vector<16x7x1x128xbf16>
    %broadcast_in_dim3A = arith.constant 0.000000e+00 : bf16
    %broadcast_in_dim3A_127 = vector.broadcast %broadcast_in_dim3A : bf16 to vector<16x7x4x128xbf16>
    %concatenate3A = tpu.concatenate %add3A, %add3A_18, %add3A_27, %add3A_36, %add3A_45, %add3A_54, %add3A_63, %add3A_72, %add3A_81, %add3A_90, %add3A_99, %add3A_108, %add3A_117, %add3A_126, %broadcast_in_dim3A_127 in 2 : vector<16x7x1x128xbf16>, vector<16x7x1x128xbf16>, vector<16x7x1x128xbf16>, vector<16x7x1x128xbf16>, vector<16x7x1x128xbf16>, vector<16x7x1x128xbf16>, vector<16x7x1x128xbf16>, vector<16x7x1x128xbf16>, vector<16x7x1x128xbf16>, vector<16x7x1x128xbf16>, vector<16x7x1x128xbf16>, vector<16x7x1x128xbf16>, vector<16x7x1x128xbf16>, vector<16x7x1x128xbf16>, vector<16x7x4x128xbf16> -> vector<16x7x18x128xbf16>
    %slice3A_128 = vector.extract_strided_slice %concatenate3A {offsets = [0, 0, 0, 0], sizes = [16, 1, 18, 128], strides = [1, 1, 1, 1]} : vector<16x7x18x128xbf16> to vector<16x1x18x128xbf16>
    %mul3A_129 = arith.constant 1.000000e+00 : bf16
    %mul3A_130 = vector.broadcast %mul3A_129 : bf16 to vector<16x1x18x128xbf16>
    %mul3A_131 = arith.mulf %slice3A_128, %mul3A_130 : vector<16x1x18x128xbf16>
    %slice3A_132 = vector.extract_strided_slice %concatenate3A {offsets = [0, 1, 0, 0], sizes = [16, 1, 18, 128], strides = [1, 1, 1, 1]} : vector<16x7x18x128xbf16> to vector<16x1x18x128xbf16>
    %mul3A_133 = arith.constant 0.000000e+00 : bf16
    %mul3A_134 = vector.broadcast %mul3A_133 : bf16 to vector<16x1x18x128xbf16>
    %mul3A_135 = arith.mulf %slice3A_132, %mul3A_134 : vector<16x1x18x128xbf16>
    %add3A_136 = arith.addf %mul3A_131, %mul3A_135 : vector<16x1x18x128xbf16>
    %slice3A_137 = vector.extract_strided_slice %concatenate3A {offsets = [0, 0, 0, 0], sizes = [16, 1, 18, 128], strides = [1, 1, 1, 1]} : vector<16x7x18x128xbf16> to vector<16x1x18x128xbf16>
    %mul3A_138 = arith.constant 5.390630e-01 : bf16
    %mul3A_139 = vector.broadcast %mul3A_138 : bf16 to vector<16x1x18x128xbf16>
    %mul3A_140 = arith.mulf %slice3A_137, %mul3A_139 : vector<16x1x18x128xbf16>
    %slice3A_141 = vector.extract_strided_slice %concatenate3A {offsets = [0, 1, 0, 0], sizes = [16, 1, 18, 128], strides = [1, 1, 1, 1]} : vector<16x7x18x128xbf16> to vector<16x1x18x128xbf16>
    %mul3A_142 = arith.constant 4.609380e-01 : bf16
    %mul3A_143 = vector.broadcast %mul3A_142 : bf16 to vector<16x1x18x128xbf16>
    %mul3A_144 = arith.mulf %slice3A_141, %mul3A_143 : vector<16x1x18x128xbf16>
    %add3A_145 = arith.addf %mul3A_140, %mul3A_144 : vector<16x1x18x128xbf16>
    %slice3A_146 = vector.extract_strided_slice %concatenate3A {offsets = [0, 0, 0, 0], sizes = [16, 1, 18, 128], strides = [1, 1, 1, 1]} : vector<16x7x18x128xbf16> to vector<16x1x18x128xbf16>
    %mul3A_147 = arith.constant 7.714840e-02 : bf16
    %mul3A_148 = vector.broadcast %mul3A_147 : bf16 to vector<16x1x18x128xbf16>
    %mul3A_149 = arith.mulf %slice3A_146, %mul3A_148 : vector<16x1x18x128xbf16>
    %slice3A_150 = vector.extract_strided_slice %concatenate3A {offsets = [0, 1, 0, 0], sizes = [16, 1, 18, 128], strides = [1, 1, 1, 1]} : vector<16x7x18x128xbf16> to vector<16x1x18x128xbf16>
    %mul3A_151 = arith.constant 9.218750e-01 : bf16
    %mul3A_152 = vector.broadcast %mul3A_151 : bf16 to vector<16x1x18x128xbf16>
    %mul3A_153 = arith.mulf %slice3A_150, %mul3A_152 : vector<16x1x18x128xbf16>
    %add3A_154 = arith.addf %mul3A_149, %mul3A_153 : vector<16x1x18x128xbf16>
    %slice3A_155 = vector.extract_strided_slice %concatenate3A {offsets = [0, 1, 0, 0], sizes = [16, 1, 18, 128], strides = [1, 1, 1, 1]} : vector<16x7x18x128xbf16> to vector<16x1x18x128xbf16>
    %mul3A_156 = arith.constant 6.171880e-01 : bf16
    %mul3A_157 = vector.broadcast %mul3A_156 : bf16 to vector<16x1x18x128xbf16>
    %mul3A_158 = arith.mulf %slice3A_155, %mul3A_157 : vector<16x1x18x128xbf16>
    %slice3A_159 = vector.extract_strided_slice %concatenate3A {offsets = [0, 2, 0, 0], sizes = [16, 1, 18, 128], strides = [1, 1, 1, 1]} : vector<16x7x18x128xbf16> to vector<16x1x18x128xbf16>
    %mul3A_160 = arith.constant 3.847660e-01 : bf16
    %mul3A_161 = vector.broadcast %mul3A_160 : bf16 to vector<16x1x18x128xbf16>
    %mul3A_162 = arith.mulf %slice3A_159, %mul3A_161 : vector<16x1x18x128xbf16>
    %add3A_163 = arith.addf %mul3A_158, %mul3A_162 : vector<16x1x18x128xbf16>
    %slice3A_164 = vector.extract_strided_slice %concatenate3A {offsets = [0, 1, 0, 0], sizes = [16, 1, 18, 128], strides = [1, 1, 1, 1]} : vector<16x7x18x128xbf16> to vector<16x1x18x128xbf16>
    %mul3A_165 = arith.constant 1.542970e-01 : bf16
    %mul3A_166 = vector.broadcast %mul3A_165 : bf16 to vector<16x1x18x128xbf16>
    %mul3A_167 = arith.mulf %slice3A_164, %mul3A_166 : vector<16x1x18x128xbf16>
    %slice3A_168 = vector.extract_strided_slice %concatenate3A {offsets = [0, 2, 0, 0], sizes = [16, 1, 18, 128], strides = [1, 1, 1, 1]} : vector<16x7x18x128xbf16> to vector<16x1x18x128xbf16>
    %mul3A_169 = arith.constant 8.476560e-01 : bf16
    %mul3A_170 = vector.broadcast %mul3A_169 : bf16 to vector<16x1x18x128xbf16>
    %mul3A_171 = arith.mulf %slice3A_168, %mul3A_170 : vector<16x1x18x128xbf16>
    %add3A_172 = arith.addf %mul3A_167, %mul3A_171 : vector<16x1x18x128xbf16>
    %slice3A_173 = vector.extract_strided_slice %concatenate3A {offsets = [0, 2, 0, 0], sizes = [16, 1, 18, 128], strides = [1, 1, 1, 1]} : vector<16x7x18x128xbf16> to vector<16x1x18x128xbf16>
    %mul3A_174 = arith.constant 6.914060e-01 : bf16
    %mul3A_175 = vector.broadcast %mul3A_174 : bf16 to vector<16x1x18x128xbf16>
    %mul3A_176 = arith.mulf %slice3A_173, %mul3A_175 : vector<16x1x18x128xbf16>
    %slice3A_177 = vector.extract_strided_slice %concatenate3A {offsets = [0, 3, 0, 0], sizes = [16, 1, 18, 128], strides = [1, 1, 1, 1]} : vector<16x7x18x128xbf16> to vector<16x1x18x128xbf16>
    %mul3A_178 = arith.constant 3.085940e-01 : bf16
    %mul3A_179 = vector.broadcast %mul3A_178 : bf16 to vector<16x1x18x128xbf16>
    %mul3A_180 = arith.mulf %slice3A_177, %mul3A_179 : vector<16x1x18x128xbf16>
    %add3A_181 = arith.addf %mul3A_176, %mul3A_180 : vector<16x1x18x128xbf16>
    %slice3A_182 = vector.extract_strided_slice %concatenate3A {offsets = [0, 2, 0, 0], sizes = [16, 1, 18, 128], strides = [1, 1, 1, 1]} : vector<16x7x18x128xbf16> to vector<16x1x18x128xbf16>
    %mul3A_183 = arith.constant 2.304690e-01 : bf16
    %mul3A_184 = vector.broadcast %mul3A_183 : bf16 to vector<16x1x18x128xbf16>
    %mul3A_185 = arith.mulf %slice3A_182, %mul3A_184 : vector<16x1x18x128xbf16>
    %slice3A_186 = vector.extract_strided_slice %concatenate3A {offsets = [0, 3, 0, 0], sizes = [16, 1, 18, 128], strides = [1, 1, 1, 1]} : vector<16x7x18x128xbf16> to vector<16x1x18x128xbf16>
    %mul3A_187 = arith.constant 7.695310e-01 : bf16
    %mul3A_188 = vector.broadcast %mul3A_187 : bf16 to vector<16x1x18x128xbf16>
    %mul3A_189 = arith.mulf %slice3A_186, %mul3A_188 : vector<16x1x18x128xbf16>
    %add3A_190 = arith.addf %mul3A_185, %mul3A_189 : vector<16x1x18x128xbf16>
    %slice3A_191 = vector.extract_strided_slice %concatenate3A {offsets = [0, 3, 0, 0], sizes = [16, 1, 18, 128], strides = [1, 1, 1, 1]} : vector<16x7x18x128xbf16> to vector<16x1x18x128xbf16>
    %mul3A_192 = arith.constant 7.695310e-01 : bf16
    %mul3A_193 = vector.broadcast %mul3A_192 : bf16 to vector<16x1x18x128xbf16>
    %mul3A_194 = arith.mulf %slice3A_191, %mul3A_193 : vector<16x1x18x128xbf16>
    %slice3A_195 = vector.extract_strided_slice %concatenate3A {offsets = [0, 4, 0, 0], sizes = [16, 1, 18, 128], strides = [1, 1, 1, 1]} : vector<16x7x18x128xbf16> to vector<16x1x18x128xbf16>
    %mul3A_196 = arith.constant 2.304690e-01 : bf16
    %mul3A_197 = vector.broadcast %mul3A_196 : bf16 to vector<16x1x18x128xbf16>
    %mul3A_198 = arith.mulf %slice3A_195, %mul3A_197 : vector<16x1x18x128xbf16>
    %add3A_199 = arith.addf %mul3A_194, %mul3A_198 : vector<16x1x18x128xbf16>
    %slice3A_200 = vector.extract_strided_slice %concatenate3A {offsets = [0, 3, 0, 0], sizes = [16, 1, 18, 128], strides = [1, 1, 1, 1]} : vector<16x7x18x128xbf16> to vector<16x1x18x128xbf16>
    %mul3A_201 = arith.constant 3.085940e-01 : bf16
    %mul3A_202 = vector.broadcast %mul3A_201 : bf16 to vector<16x1x18x128xbf16>
    %mul3A_203 = arith.mulf %slice3A_200, %mul3A_202 : vector<16x1x18x128xbf16>
    %slice3A_204 = vector.extract_strided_slice %concatenate3A {offsets = [0, 4, 0, 0], sizes = [16, 1, 18, 128], strides = [1, 1, 1, 1]} : vector<16x7x18x128xbf16> to vector<16x1x18x128xbf16>
    %mul3A_205 = arith.constant 6.914060e-01 : bf16
    %mul3A_206 = vector.broadcast %mul3A_205 : bf16 to vector<16x1x18x128xbf16>
    %mul3A_207 = arith.mulf %slice3A_204, %mul3A_206 : vector<16x1x18x128xbf16>
    %add3A_208 = arith.addf %mul3A_203, %mul3A_207 : vector<16x1x18x128xbf16>
    %slice3A_209 = vector.extract_strided_slice %concatenate3A {offsets = [0, 4, 0, 0], sizes = [16, 1, 18, 128], strides = [1, 1, 1, 1]} : vector<16x7x18x128xbf16> to vector<16x1x18x128xbf16>
    %mul3A_210 = arith.constant 8.476560e-01 : bf16
    %mul3A_211 = vector.broadcast %mul3A_210 : bf16 to vector<16x1x18x128xbf16>
    %mul3A_212 = arith.mulf %slice3A_209, %mul3A_211 : vector<16x1x18x128xbf16>
    %slice3A_213 = vector.extract_strided_slice %concatenate3A {offsets = [0, 5, 0, 0], sizes = [16, 1, 18, 128], strides = [1, 1, 1, 1]} : vector<16x7x18x128xbf16> to vector<16x1x18x128xbf16>
    %mul3A_214 = arith.constant 1.542970e-01 : bf16
    %mul3A_215 = vector.broadcast %mul3A_214 : bf16 to vector<16x1x18x128xbf16>
    %mul3A_216 = arith.mulf %slice3A_213, %mul3A_215 : vector<16x1x18x128xbf16>
    %add3A_217 = arith.addf %mul3A_212, %mul3A_216 : vector<16x1x18x128xbf16>
    %slice3A_218 = vector.extract_strided_slice %concatenate3A {offsets = [0, 4, 0, 0], sizes = [16, 1, 18, 128], strides = [1, 1, 1, 1]} : vector<16x7x18x128xbf16> to vector<16x1x18x128xbf16>
    %mul3A_219 = arith.constant 3.847660e-01 : bf16
    %mul3A_220 = vector.broadcast %mul3A_219 : bf16 to vector<16x1x18x128xbf16>
    %mul3A_221 = arith.mulf %slice3A_218, %mul3A_220 : vector<16x1x18x128xbf16>
    %slice3A_222 = vector.extract_strided_slice %concatenate3A {offsets = [0, 5, 0, 0], sizes = [16, 1, 18, 128], strides = [1, 1, 1, 1]} : vector<16x7x18x128xbf16> to vector<16x1x18x128xbf16>
    %mul3A_223 = arith.constant 6.171880e-01 : bf16
    %mul3A_224 = vector.broadcast %mul3A_223 : bf16 to vector<16x1x18x128xbf16>
    %mul3A_225 = arith.mulf %slice3A_222, %mul3A_224 : vector<16x1x18x128xbf16>
    %add3A_226 = arith.addf %mul3A_221, %mul3A_225 : vector<16x1x18x128xbf16>
    %slice3A_227 = vector.extract_strided_slice %concatenate3A {offsets = [0, 5, 0, 0], sizes = [16, 1, 18, 128], strides = [1, 1, 1, 1]} : vector<16x7x18x128xbf16> to vector<16x1x18x128xbf16>
    %mul3A_228 = arith.constant 9.218750e-01 : bf16
    %mul3A_229 = vector.broadcast %mul3A_228 : bf16 to vector<16x1x18x128xbf16>
    %mul3A_230 = arith.mulf %slice3A_227, %mul3A_229 : vector<16x1x18x128xbf16>
    %slice3A_231 = vector.extract_strided_slice %concatenate3A {offsets = [0, 6, 0, 0], sizes = [16, 1, 18, 128], strides = [1, 1, 1, 1]} : vector<16x7x18x128xbf16> to vector<16x1x18x128xbf16>
    %mul3A_232 = arith.constant 7.714840e-02 : bf16
    %mul3A_233 = vector.broadcast %mul3A_232 : bf16 to vector<16x1x18x128xbf16>
    %mul3A_234 = arith.mulf %slice3A_231, %mul3A_233 : vector<16x1x18x128xbf16>
    %add3A_235 = arith.addf %mul3A_230, %mul3A_234 : vector<16x1x18x128xbf16>
    %slice3A_236 = vector.extract_strided_slice %concatenate3A {offsets = [0, 5, 0, 0], sizes = [16, 1, 18, 128], strides = [1, 1, 1, 1]} : vector<16x7x18x128xbf16> to vector<16x1x18x128xbf16>
    %mul3A_237 = arith.constant 4.609380e-01 : bf16
    %mul3A_238 = vector.broadcast %mul3A_237 : bf16 to vector<16x1x18x128xbf16>
    %mul3A_239 = arith.mulf %slice3A_236, %mul3A_238 : vector<16x1x18x128xbf16>
    %slice3A_240 = vector.extract_strided_slice %concatenate3A {offsets = [0, 6, 0, 0], sizes = [16, 1, 18, 128], strides = [1, 1, 1, 1]} : vector<16x7x18x128xbf16> to vector<16x1x18x128xbf16>
    %mul3A_241 = arith.constant 5.390630e-01 : bf16
    %mul3A_242 = vector.broadcast %mul3A_241 : bf16 to vector<16x1x18x128xbf16>
    %mul3A_243 = arith.mulf %slice3A_240, %mul3A_242 : vector<16x1x18x128xbf16>
    %add3A_244 = arith.addf %mul3A_239, %mul3A_243 : vector<16x1x18x128xbf16>
    %slice3A_245 = vector.extract_strided_slice %concatenate3A {offsets = [0, 6, 0, 0], sizes = [16, 1, 18, 128], strides = [1, 1, 1, 1]} : vector<16x7x18x128xbf16> to vector<16x1x18x128xbf16>
    %mul3A_246 = arith.constant 1.000000e+00 : bf16
    %mul3A_247 = vector.broadcast %mul3A_246 : bf16 to vector<16x1x18x128xbf16>
    %mul3A_248 = arith.mulf %slice3A_245, %mul3A_247 : vector<16x1x18x128xbf16>
    %slice3A_249 = vector.extract_strided_slice %concatenate3A {offsets = [0, 6, 0, 0], sizes = [16, 1, 18, 128], strides = [1, 1, 1, 1]} : vector<16x7x18x128xbf16> to vector<16x1x18x128xbf16>
    %mul3A_250 = arith.constant 0.000000e+00 : bf16
    %mul3A_251 = vector.broadcast %mul3A_250 : bf16 to vector<16x1x18x128xbf16>
    %mul3A_252 = arith.mulf %slice3A_249, %mul3A_251 : vector<16x1x18x128xbf16>
    %add3A_253 = arith.addf %mul3A_248, %mul3A_252 : vector<16x1x18x128xbf16>
    %concatenate3A_254 = tpu.concatenate %add3A_136, %add3A_145, %add3A_154, %add3A_163, %add3A_172, %add3A_181, %add3A_190, %add3A_199, %add3A_208, %add3A_217, %add3A_226, %add3A_235, %add3A_244, %add3A_253 in 1 : vector<16x1x18x128xbf16>, vector<16x1x18x128xbf16>, vector<16x1x18x128xbf16>, vector<16x1x18x128xbf16>, vector<16x1x18x128xbf16>, vector<16x1x18x128xbf16>, vector<16x1x18x128xbf16>, vector<16x1x18x128xbf16>, vector<16x1x18x128xbf16>, vector<16x1x18x128xbf16>, vector<16x1x18x128xbf16>, vector<16x1x18x128xbf16>, vector<16x1x18x128xbf16>, vector<16x1x18x128xbf16> -> vector<16x14x18x128xbf16>
    %slice3A_255 = vector.extract_strided_slice %concatenate3A_254 {offsets = [0, 0, 0, 0], sizes = [16, 12, 16, 128], strides = [1, 1, 1, 1]} : vector<16x14x18x128xbf16> to vector<16x12x16x128xbf16>
    %slice3A_256 = vector.extract_strided_slice %concatenate3A_254 {offsets = [0, 0, 1, 0], sizes = [16, 12, 16, 128], strides = [1, 1, 1, 1]} : vector<16x14x18x128xbf16> to vector<16x12x16x128xbf16>
    %slice3A_257 = vector.extract_strided_slice %concatenate3A_254 {offsets = [0, 0, 2, 0], sizes = [16, 12, 16, 128], strides = [1, 1, 1, 1]} : vector<16x14x18x128xbf16> to vector<16x12x16x128xbf16>
    %slice3A_258 = vector.extract_strided_slice %concatenate3A_254 {offsets = [0, 1, 0, 0], sizes = [16, 12, 16, 128], strides = [1, 1, 1, 1]} : vector<16x14x18x128xbf16> to vector<16x12x16x128xbf16>
    %slice3A_259 = vector.extract_strided_slice %concatenate3A_254 {offsets = [0, 1, 1, 0], sizes = [16, 12, 16, 128], strides = [1, 1, 1, 1]} : vector<16x14x18x128xbf16> to vector<16x12x16x128xbf16>
    %slice3A_260 = vector.extract_strided_slice %concatenate3A_254 {offsets = [0, 1, 2, 0], sizes = [16, 12, 16, 128], strides = [1, 1, 1, 1]} : vector<16x14x18x128xbf16> to vector<16x12x16x128xbf16>
    %slice3A_261 = vector.extract_strided_slice %concatenate3A_254 {offsets = [0, 2, 0, 0], sizes = [16, 12, 16, 128], strides = [1, 1, 1, 1]} : vector<16x14x18x128xbf16> to vector<16x12x16x128xbf16>
    %slice3A_262 = vector.extract_strided_slice %concatenate3A_254 {offsets = [0, 2, 1, 0], sizes = [16, 12, 16, 128], strides = [1, 1, 1, 1]} : vector<16x14x18x128xbf16> to vector<16x12x16x128xbf16>
    %slice3A_263 = vector.extract_strided_slice %concatenate3A_254 {offsets = [0, 2, 2, 0], sizes = [16, 12, 16, 128], strides = [1, 1, 1, 1]} : vector<16x14x18x128xbf16> to vector<16x12x16x128xbf16>
    %concatenate3A_264 = tpu.concatenate %slice3A_255, %slice3A_256, %slice3A_257, %slice3A_258, %slice3A_259, %slice3A_260, %slice3A_261, %slice3A_262, %slice3A_263 in 3 : vector<16x12x16x128xbf16>, vector<16x12x16x128xbf16>, vector<16x12x16x128xbf16>, vector<16x12x16x128xbf16>, vector<16x12x16x128xbf16>, vector<16x12x16x128xbf16>, vector<16x12x16x128xbf16>, vector<16x12x16x128xbf16>, vector<16x12x16x128xbf16> -> vector<16x12x16x1152xbf16>
    %reshape3A = vector.shape_cast %concatenate3A_264 : vector<16x12x16x1152xbf16> to vector<3072x1152xbf16>
    %get3A_265 = arith.constant 0 : index
    %get3A_266 = arith.constant 0 : index
    %get3A_267 = vector.load %arg2[%get3A_265, %get3A_266] : memref<1152x128xbf16, #tpu.memory_space<vmem>>, vector<1152x128xbf16>
    %dot_general3A = arith.constant dense<0.000000e+00> : vector<3072x128xf32>
    %dot_general3A_268 = tpu.matmul %reshape3A, %get3A_267, %dot_general3A {dimension_numbers = #tpu.dot_dimension_numbers<[1], [0], [0], [1], [0, 0, 1, 1], [], []>, transpose_lhs_hint = false} : vector<3072x1152xbf16>, vector<1152x128xbf16>, vector<3072x128xf32> -> vector<3072x128xf32>
    %get3A_269 = arith.constant 0 : index
    %get3A_270 = arith.constant 0 : index
    %get3A_271 = vector.load %arg3[%get3A_269, %get3A_270] : memref<1x128xf32, #tpu.memory_space<vmem>>, vector<1x128xf32>
    %add3A_272 = vector.broadcast %get3A_271 : vector<1x128xf32> to vector<3072x128xf32>
    %add3A_273 = arith.addf %dot_general3A_268, %add3A_272 : vector<3072x128xf32>
    %max3A = arith.constant 0.000000e+00 : f32
    %max3A_274 = vector.broadcast %max3A : f32 to vector<3072x128xf32>
    %max3A_275 = arith.maximumf %add3A_273, %max3A_274 : vector<3072x128xf32>
    %convert_element_type3A_276 = arith.truncf %max3A_275 : vector<3072x128xf32> to vector<3072x128xbf16>
    %reshape3A_277 = vector.shape_cast %convert_element_type3A_276 : vector<3072x128xbf16> to vector<16x12x16x128xbf16>
    %slice3A_278 = vector.extract_strided_slice %reshape3A_277 {offsets = [0, 0, 0, 0], sizes = [16, 12, 12, 128], strides = [1, 1, 1, 1]} : vector<16x12x16x128xbf16> to vector<16x12x12x128xbf16>
    %broadcast_in_dim3A_279 = arith.constant 0.000000e+00 : bf16
    %broadcast_in_dim3A_280 = vector.broadcast %broadcast_in_dim3A_279 : bf16 to vector<16x12x1x128xbf16>
    %slice3A_281 = vector.extract_strided_slice %slice3A_278 {offsets = [0, 0, 0, 0], sizes = [16, 12, 1, 128], strides = [1, 1, 1, 1]} : vector<16x12x12x128xbf16> to vector<16x12x1x128xbf16>
    %mul3A_282 = arith.constant 1.000000e+00 : bf16
    %mul3A_283 = vector.broadcast %mul3A_282 : bf16 to vector<16x12x1x128xbf16>
    %mul3A_284 = arith.mulf %slice3A_281, %mul3A_283 : vector<16x12x1x128xbf16>
    %slice3A_285 = vector.extract_strided_slice %slice3A_278 {offsets = [0, 0, 1, 0], sizes = [16, 12, 1, 128], strides = [1, 1, 1, 1]} : vector<16x12x12x128xbf16> to vector<16x12x1x128xbf16>
    %mul3A_286 = arith.constant 0.000000e+00 : bf16
    %mul3A_287 = vector.broadcast %mul3A_286 : bf16 to vector<16x12x1x128xbf16>
    %mul3A_288 = arith.mulf %slice3A_285, %mul3A_287 : vector<16x12x1x128xbf16>
    %add3A_289 = arith.addf %mul3A_284, %mul3A_288 : vector<16x12x1x128xbf16>
    %slice3A_290 = vector.extract_strided_slice %slice3A_278 {offsets = [0, 0, 0, 0], sizes = [16, 12, 1, 128], strides = [1, 1, 1, 1]} : vector<16x12x12x128xbf16> to vector<16x12x1x128xbf16>
    %mul3A_291 = arith.constant 5.234380e-01 : bf16
    %mul3A_292 = vector.broadcast %mul3A_291 : bf16 to vector<16x12x1x128xbf16>
    %mul3A_293 = arith.mulf %slice3A_290, %mul3A_292 : vector<16x12x1x128xbf16>
    %slice3A_294 = vector.extract_strided_slice %slice3A_278 {offsets = [0, 0, 1, 0], sizes = [16, 12, 1, 128], strides = [1, 1, 1, 1]} : vector<16x12x12x128xbf16> to vector<16x12x1x128xbf16>
    %mul3A_295 = arith.constant 4.785160e-01 : bf16
    %mul3A_296 = vector.broadcast %mul3A_295 : bf16 to vector<16x12x1x128xbf16>
    %mul3A_297 = arith.mulf %slice3A_294, %mul3A_296 : vector<16x12x1x128xbf16>
    %add3A_298 = arith.addf %mul3A_293, %mul3A_297 : vector<16x12x1x128xbf16>
    %slice3A_299 = vector.extract_strided_slice %slice3A_278 {offsets = [0, 0, 0, 0], sizes = [16, 12, 1, 128], strides = [1, 1, 1, 1]} : vector<16x12x12x128xbf16> to vector<16x12x1x128xbf16>
    %mul3A_300 = arith.constant 4.345700e-02 : bf16
    %mul3A_301 = vector.broadcast %mul3A_300 : bf16 to vector<16x12x1x128xbf16>
    %mul3A_302 = arith.mulf %slice3A_299, %mul3A_301 : vector<16x12x1x128xbf16>
    %slice3A_303 = vector.extract_strided_slice %slice3A_278 {offsets = [0, 0, 1, 0], sizes = [16, 12, 1, 128], strides = [1, 1, 1, 1]} : vector<16x12x12x128xbf16> to vector<16x12x1x128xbf16>
    %mul3A_304 = arith.constant 9.570310e-01 : bf16
    %mul3A_305 = vector.broadcast %mul3A_304 : bf16 to vector<16x12x1x128xbf16>
    %mul3A_306 = arith.mulf %slice3A_303, %mul3A_305 : vector<16x12x1x128xbf16>
    %add3A_307 = arith.addf %mul3A_302, %mul3A_306 : vector<16x12x1x128xbf16>
    %slice3A_308 = vector.extract_strided_slice %slice3A_278 {offsets = [0, 0, 1, 0], sizes = [16, 12, 1, 128], strides = [1, 1, 1, 1]} : vector<16x12x12x128xbf16> to vector<16x12x1x128xbf16>
    %mul3A_309 = arith.constant 5.664060e-01 : bf16
    %mul3A_310 = vector.broadcast %mul3A_309 : bf16 to vector<16x12x1x128xbf16>
    %mul3A_311 = arith.mulf %slice3A_308, %mul3A_310 : vector<16x12x1x128xbf16>
    %slice3A_312 = vector.extract_strided_slice %slice3A_278 {offsets = [0, 0, 2, 0], sizes = [16, 12, 1, 128], strides = [1, 1, 1, 1]} : vector<16x12x12x128xbf16> to vector<16x12x1x128xbf16>
    %mul3A_313 = arith.constant 4.355470e-01 : bf16
    %mul3A_314 = vector.broadcast %mul3A_313 : bf16 to vector<16x12x1x128xbf16>
    %mul3A_315 = arith.mulf %slice3A_312, %mul3A_314 : vector<16x12x1x128xbf16>
    %add3A_316 = arith.addf %mul3A_311, %mul3A_315 : vector<16x12x1x128xbf16>
    %slice3A_317 = vector.extract_strided_slice %slice3A_278 {offsets = [0, 0, 1, 0], sizes = [16, 12, 1, 128], strides = [1, 1, 1, 1]} : vector<16x12x12x128xbf16> to vector<16x12x1x128xbf16>
    %mul3A_318 = arith.constant 8.691400e-02 : bf16
    %mul3A_319 = vector.broadcast %mul3A_318 : bf16 to vector<16x12x1x128xbf16>
    %mul3A_320 = arith.mulf %slice3A_317, %mul3A_319 : vector<16x12x1x128xbf16>
    %slice3A_321 = vector.extract_strided_slice %slice3A_278 {offsets = [0, 0, 2, 0], sizes = [16, 12, 1, 128], strides = [1, 1, 1, 1]} : vector<16x12x12x128xbf16> to vector<16x12x1x128xbf16>
    %mul3A_322 = arith.constant 9.140620e-01 : bf16
    %mul3A_323 = vector.broadcast %mul3A_322 : bf16 to vector<16x12x1x128xbf16>
    %mul3A_324 = arith.mulf %slice3A_321, %mul3A_323 : vector<16x12x1x128xbf16>
    %add3A_325 = arith.addf %mul3A_320, %mul3A_324 : vector<16x12x1x128xbf16>
    %slice3A_326 = vector.extract_strided_slice %slice3A_278 {offsets = [0, 0, 2, 0], sizes = [16, 12, 1, 128], strides = [1, 1, 1, 1]} : vector<16x12x12x128xbf16> to vector<16x12x1x128xbf16>
    %mul3A_327 = arith.constant 6.093750e-01 : bf16
    %mul3A_328 = vector.broadcast %mul3A_327 : bf16 to vector<16x12x1x128xbf16>
    %mul3A_329 = arith.mulf %slice3A_326, %mul3A_328 : vector<16x12x1x128xbf16>
    %slice3A_330 = vector.extract_strided_slice %slice3A_278 {offsets = [0, 0, 3, 0], sizes = [16, 12, 1, 128], strides = [1, 1, 1, 1]} : vector<16x12x12x128xbf16> to vector<16x12x1x128xbf16>
    %mul3A_331 = arith.constant 3.906250e-01 : bf16
    %mul3A_332 = vector.broadcast %mul3A_331 : bf16 to vector<16x12x1x128xbf16>
    %mul3A_333 = arith.mulf %slice3A_330, %mul3A_332 : vector<16x12x1x128xbf16>
    %add3A_334 = arith.addf %mul3A_329, %mul3A_333 : vector<16x12x1x128xbf16>
    %slice3A_335 = vector.extract_strided_slice %slice3A_278 {offsets = [0, 0, 2, 0], sizes = [16, 12, 1, 128], strides = [1, 1, 1, 1]} : vector<16x12x12x128xbf16> to vector<16x12x1x128xbf16>
    %mul3A_336 = arith.constant 1.308590e-01 : bf16
    %mul3A_337 = vector.broadcast %mul3A_336 : bf16 to vector<16x12x1x128xbf16>
    %mul3A_338 = arith.mulf %slice3A_335, %mul3A_337 : vector<16x12x1x128xbf16>
    %slice3A_339 = vector.extract_strided_slice %slice3A_278 {offsets = [0, 0, 3, 0], sizes = [16, 12, 1, 128], strides = [1, 1, 1, 1]} : vector<16x12x12x128xbf16> to vector<16x12x1x128xbf16>
    %mul3A_340 = arith.constant 8.710930e-01 : bf16
    %mul3A_341 = vector.broadcast %mul3A_340 : bf16 to vector<16x12x1x128xbf16>
    %mul3A_342 = arith.mulf %slice3A_339, %mul3A_341 : vector<16x12x1x128xbf16>
    %add3A_343 = arith.addf %mul3A_338, %mul3A_342 : vector<16x12x1x128xbf16>
    %slice3A_344 = vector.extract_strided_slice %slice3A_278 {offsets = [0, 0, 3, 0], sizes = [16, 12, 1, 128], strides = [1, 1, 1, 1]} : vector<16x12x12x128xbf16> to vector<16x12x1x128xbf16>
    %mul3A_345 = arith.constant 6.523440e-01 : bf16
    %mul3A_346 = vector.broadcast %mul3A_345 : bf16 to vector<16x12x1x128xbf16>
    %mul3A_347 = arith.mulf %slice3A_344, %mul3A_346 : vector<16x12x1x128xbf16>
    %slice3A_348 = vector.extract_strided_slice %slice3A_278 {offsets = [0, 0, 4, 0], sizes = [16, 12, 1, 128], strides = [1, 1, 1, 1]} : vector<16x12x12x128xbf16> to vector<16x12x1x128xbf16>
    %mul3A_349 = arith.constant 3.476560e-01 : bf16
    %mul3A_350 = vector.broadcast %mul3A_349 : bf16 to vector<16x12x1x128xbf16>
    %mul3A_351 = arith.mulf %slice3A_348, %mul3A_350 : vector<16x12x1x128xbf16>
    %add3A_352 = arith.addf %mul3A_347, %mul3A_351 : vector<16x12x1x128xbf16>
    %slice3A_353 = vector.extract_strided_slice %slice3A_278 {offsets = [0, 0, 3, 0], sizes = [16, 12, 1, 128], strides = [1, 1, 1, 1]} : vector<16x12x12x128xbf16> to vector<16x12x1x128xbf16>
    %mul3A_354 = arith.constant 1.738280e-01 : bf16
    %mul3A_355 = vector.broadcast %mul3A_354 : bf16 to vector<16x12x1x128xbf16>
    %mul3A_356 = arith.mulf %slice3A_353, %mul3A_355 : vector<16x12x1x128xbf16>
    %slice3A_357 = vector.extract_strided_slice %slice3A_278 {offsets = [0, 0, 4, 0], sizes = [16, 12, 1, 128], strides = [1, 1, 1, 1]} : vector<16x12x12x128xbf16> to vector<16x12x1x128xbf16>
    %mul3A_358 = arith.constant 8.242180e-01 : bf16
    %mul3A_359 = vector.broadcast %mul3A_358 : bf16 to vector<16x12x1x128xbf16>
    %mul3A_360 = arith.mulf %slice3A_357, %mul3A_359 : vector<16x12x1x128xbf16>
    %add3A_361 = arith.addf %mul3A_356, %mul3A_360 : vector<16x12x1x128xbf16>
    %slice3A_362 = vector.extract_strided_slice %slice3A_278 {offsets = [0, 0, 4, 0], sizes = [16, 12, 1, 128], strides = [1, 1, 1, 1]} : vector<16x12x12x128xbf16> to vector<16x12x1x128xbf16>
    %mul3A_363 = arith.constant 6.953130e-01 : bf16
    %mul3A_364 = vector.broadcast %mul3A_363 : bf16 to vector<16x12x1x128xbf16>
    %mul3A_365 = arith.mulf %slice3A_362, %mul3A_364 : vector<16x12x1x128xbf16>
    %slice3A_366 = vector.extract_strided_slice %slice3A_278 {offsets = [0, 0, 5, 0], sizes = [16, 12, 1, 128], strides = [1, 1, 1, 1]} : vector<16x12x12x128xbf16> to vector<16x12x1x128xbf16>
    %mul3A_367 = arith.constant 3.046880e-01 : bf16
    %mul3A_368 = vector.broadcast %mul3A_367 : bf16 to vector<16x12x1x128xbf16>
    %mul3A_369 = arith.mulf %slice3A_366, %mul3A_368 : vector<16x12x1x128xbf16>
    %add3A_370 = arith.addf %mul3A_365, %mul3A_369 : vector<16x12x1x128xbf16>
    %slice3A_371 = vector.extract_strided_slice %slice3A_278 {offsets = [0, 0, 4, 0], sizes = [16, 12, 1, 128], strides = [1, 1, 1, 1]} : vector<16x12x12x128xbf16> to vector<16x12x1x128xbf16>
    %mul3A_372 = arith.constant 2.177730e-01 : bf16
    %mul3A_373 = vector.broadcast %mul3A_372 : bf16 to vector<16x12x1x128xbf16>
    %mul3A_374 = arith.mulf %slice3A_371, %mul3A_373 : vector<16x12x1x128xbf16>
    %slice3A_375 = vector.extract_strided_slice %slice3A_278 {offsets = [0, 0, 5, 0], sizes = [16, 12, 1, 128], strides = [1, 1, 1, 1]} : vector<16x12x12x128xbf16> to vector<16x12x1x128xbf16>
    %mul3A_376 = arith.constant 7.812500e-01 : bf16
    %mul3A_377 = vector.broadcast %mul3A_376 : bf16 to vector<16x12x1x128xbf16>
    %mul3A_378 = arith.mulf %slice3A_375, %mul3A_377 : vector<16x12x1x128xbf16>
    %add3A_379 = arith.addf %mul3A_374, %mul3A_378 : vector<16x12x1x128xbf16>
    %slice3A_380 = vector.extract_strided_slice %slice3A_278 {offsets = [0, 0, 5, 0], sizes = [16, 12, 1, 128], strides = [1, 1, 1, 1]} : vector<16x12x12x128xbf16> to vector<16x12x1x128xbf16>
    %mul3A_381 = arith.constant 7.382810e-01 : bf16
    %mul3A_382 = vector.broadcast %mul3A_381 : bf16 to vector<16x12x1x128xbf16>
    %mul3A_383 = arith.mulf %slice3A_380, %mul3A_382 : vector<16x12x1x128xbf16>
    %slice3A_384 = vector.extract_strided_slice %slice3A_278 {offsets = [0, 0, 6, 0], sizes = [16, 12, 1, 128], strides = [1, 1, 1, 1]} : vector<16x12x12x128xbf16> to vector<16x12x1x128xbf16>
    %mul3A_385 = arith.constant 2.617190e-01 : bf16
    %mul3A_386 = vector.broadcast %mul3A_385 : bf16 to vector<16x12x1x128xbf16>
    %mul3A_387 = arith.mulf %slice3A_384, %mul3A_386 : vector<16x12x1x128xbf16>
    %add3A_388 = arith.addf %mul3A_383, %mul3A_387 : vector<16x12x1x128xbf16>
    %slice3A_389 = vector.extract_strided_slice %slice3A_278 {offsets = [0, 0, 5, 0], sizes = [16, 12, 1, 128], strides = [1, 1, 1, 1]} : vector<16x12x12x128xbf16> to vector<16x12x1x128xbf16>
    %mul3A_390 = arith.constant 2.617190e-01 : bf16
    %mul3A_391 = vector.broadcast %mul3A_390 : bf16 to vector<16x12x1x128xbf16>
    %mul3A_392 = arith.mulf %slice3A_389, %mul3A_391 : vector<16x12x1x128xbf16>
    %slice3A_393 = vector.extract_strided_slice %slice3A_278 {offsets = [0, 0, 6, 0], sizes = [16, 12, 1, 128], strides = [1, 1, 1, 1]} : vector<16x12x12x128xbf16> to vector<16x12x1x128xbf16>
    %mul3A_394 = arith.constant 7.382810e-01 : bf16
    %mul3A_395 = vector.broadcast %mul3A_394 : bf16 to vector<16x12x1x128xbf16>
    %mul3A_396 = arith.mulf %slice3A_393, %mul3A_395 : vector<16x12x1x128xbf16>
    %add3A_397 = arith.addf %mul3A_392, %mul3A_396 : vector<16x12x1x128xbf16>
    %slice3A_398 = vector.extract_strided_slice %slice3A_278 {offsets = [0, 0, 6, 0], sizes = [16, 12, 1, 128], strides = [1, 1, 1, 1]} : vector<16x12x12x128xbf16> to vector<16x12x1x128xbf16>
    %mul3A_399 = arith.constant 7.812500e-01 : bf16
    %mul3A_400 = vector.broadcast %mul3A_399 : bf16 to vector<16x12x1x128xbf16>
    %mul3A_401 = arith.mulf %slice3A_398, %mul3A_400 : vector<16x12x1x128xbf16>
    %slice3A_402 = vector.extract_strided_slice %slice3A_278 {offsets = [0, 0, 7, 0], sizes = [16, 12, 1, 128], strides = [1, 1, 1, 1]} : vector<16x12x12x128xbf16> to vector<16x12x1x128xbf16>
    %mul3A_403 = arith.constant 2.177730e-01 : bf16
    %mul3A_404 = vector.broadcast %mul3A_403 : bf16 to vector<16x12x1x128xbf16>
    %mul3A_405 = arith.mulf %slice3A_402, %mul3A_404 : vector<16x12x1x128xbf16>
    %add3A_406 = arith.addf %mul3A_401, %mul3A_405 : vector<16x12x1x128xbf16>
    %slice3A_407 = vector.extract_strided_slice %slice3A_278 {offsets = [0, 0, 6, 0], sizes = [16, 12, 1, 128], strides = [1, 1, 1, 1]} : vector<16x12x12x128xbf16> to vector<16x12x1x128xbf16>
    %mul3A_408 = arith.constant 3.046880e-01 : bf16
    %mul3A_409 = vector.broadcast %mul3A_408 : bf16 to vector<16x12x1x128xbf16>
    %mul3A_410 = arith.mulf %slice3A_407, %mul3A_409 : vector<16x12x1x128xbf16>
    %slice3A_411 = vector.extract_strided_slice %slice3A_278 {offsets = [0, 0, 7, 0], sizes = [16, 12, 1, 128], strides = [1, 1, 1, 1]} : vector<16x12x12x128xbf16> to vector<16x12x1x128xbf16>
    %mul3A_412 = arith.constant 6.953130e-01 : bf16
    %mul3A_413 = vector.broadcast %mul3A_412 : bf16 to vector<16x12x1x128xbf16>
    %mul3A_414 = arith.mulf %slice3A_411, %mul3A_413 : vector<16x12x1x128xbf16>
    %add3A_415 = arith.addf %mul3A_410, %mul3A_414 : vector<16x12x1x128xbf16>
    %slice3A_416 = vector.extract_strided_slice %slice3A_278 {offsets = [0, 0, 7, 0], sizes = [16, 12, 1, 128], strides = [1, 1, 1, 1]} : vector<16x12x12x128xbf16> to vector<16x12x1x128xbf16>
    %mul3A_417 = arith.constant 8.242180e-01 : bf16
    %mul3A_418 = vector.broadcast %mul3A_417 : bf16 to vector<16x12x1x128xbf16>
    %mul3A_419 = arith.mulf %slice3A_416, %mul3A_418 : vector<16x12x1x128xbf16>
    %slice3A_420 = vector.extract_strided_slice %slice3A_278 {offsets = [0, 0, 8, 0], sizes = [16, 12, 1, 128], strides = [1, 1, 1, 1]} : vector<16x12x12x128xbf16> to vector<16x12x1x128xbf16>
    %mul3A_421 = arith.constant 1.738280e-01 : bf16
    %mul3A_422 = vector.broadcast %mul3A_421 : bf16 to vector<16x12x1x128xbf16>
    %mul3A_423 = arith.mulf %slice3A_420, %mul3A_422 : vector<16x12x1x128xbf16>
    %add3A_424 = arith.addf %mul3A_419, %mul3A_423 : vector<16x12x1x128xbf16>
    %slice3A_425 = vector.extract_strided_slice %slice3A_278 {offsets = [0, 0, 7, 0], sizes = [16, 12, 1, 128], strides = [1, 1, 1, 1]} : vector<16x12x12x128xbf16> to vector<16x12x1x128xbf16>
    %mul3A_426 = arith.constant 3.476560e-01 : bf16
    %mul3A_427 = vector.broadcast %mul3A_426 : bf16 to vector<16x12x1x128xbf16>
    %mul3A_428 = arith.mulf %slice3A_425, %mul3A_427 : vector<16x12x1x128xbf16>
    %slice3A_429 = vector.extract_strided_slice %slice3A_278 {offsets = [0, 0, 8, 0], sizes = [16, 12, 1, 128], strides = [1, 1, 1, 1]} : vector<16x12x12x128xbf16> to vector<16x12x1x128xbf16>
    %mul3A_430 = arith.constant 6.523440e-01 : bf16
    %mul3A_431 = vector.broadcast %mul3A_430 : bf16 to vector<16x12x1x128xbf16>
    %mul3A_432 = arith.mulf %slice3A_429, %mul3A_431 : vector<16x12x1x128xbf16>
    %add3A_433 = arith.addf %mul3A_428, %mul3A_432 : vector<16x12x1x128xbf16>
    %slice3A_434 = vector.extract_strided_slice %slice3A_278 {offsets = [0, 0, 8, 0], sizes = [16, 12, 1, 128], strides = [1, 1, 1, 1]} : vector<16x12x12x128xbf16> to vector<16x12x1x128xbf16>
    %mul3A_435 = arith.constant 8.710930e-01 : bf16
    %mul3A_436 = vector.broadcast %mul3A_435 : bf16 to vector<16x12x1x128xbf16>
    %mul3A_437 = arith.mulf %slice3A_434, %mul3A_436 : vector<16x12x1x128xbf16>
    %slice3A_438 = vector.extract_strided_slice %slice3A_278 {offsets = [0, 0, 9, 0], sizes = [16, 12, 1, 128], strides = [1, 1, 1, 1]} : vector<16x12x12x128xbf16> to vector<16x12x1x128xbf16>
    %mul3A_439 = arith.constant 1.308590e-01 : bf16
    %mul3A_440 = vector.broadcast %mul3A_439 : bf16 to vector<16x12x1x128xbf16>
    %mul3A_441 = arith.mulf %slice3A_438, %mul3A_440 : vector<16x12x1x128xbf16>
    %add3A_442 = arith.addf %mul3A_437, %mul3A_441 : vector<16x12x1x128xbf16>
    %slice3A_443 = vector.extract_strided_slice %slice3A_278 {offsets = [0, 0, 8, 0], sizes = [16, 12, 1, 128], strides = [1, 1, 1, 1]} : vector<16x12x12x128xbf16> to vector<16x12x1x128xbf16>
    %mul3A_444 = arith.constant 3.906250e-01 : bf16
    %mul3A_445 = vector.broadcast %mul3A_444 : bf16 to vector<16x12x1x128xbf16>
    %mul3A_446 = arith.mulf %slice3A_443, %mul3A_445 : vector<16x12x1x128xbf16>
    %slice3A_447 = vector.extract_strided_slice %slice3A_278 {offsets = [0, 0, 9, 0], sizes = [16, 12, 1, 128], strides = [1, 1, 1, 1]} : vector<16x12x12x128xbf16> to vector<16x12x1x128xbf16>
    %mul3A_448 = arith.constant 6.093750e-01 : bf16
    %mul3A_449 = vector.broadcast %mul3A_448 : bf16 to vector<16x12x1x128xbf16>
    %mul3A_450 = arith.mulf %slice3A_447, %mul3A_449 : vector<16x12x1x128xbf16>
    %add3A_451 = arith.addf %mul3A_446, %mul3A_450 : vector<16x12x1x128xbf16>
    %slice3A_452 = vector.extract_strided_slice %slice3A_278 {offsets = [0, 0, 9, 0], sizes = [16, 12, 1, 128], strides = [1, 1, 1, 1]} : vector<16x12x12x128xbf16> to vector<16x12x1x128xbf16>
    %mul3A_453 = arith.constant 9.140620e-01 : bf16
    %mul3A_454 = vector.broadcast %mul3A_453 : bf16 to vector<16x12x1x128xbf16>
    %mul3A_455 = arith.mulf %slice3A_452, %mul3A_454 : vector<16x12x1x128xbf16>
    %slice3A_456 = vector.extract_strided_slice %slice3A_278 {offsets = [0, 0, 10, 0], sizes = [16, 12, 1, 128], strides = [1, 1, 1, 1]} : vector<16x12x12x128xbf16> to vector<16x12x1x128xbf16>
    %mul3A_457 = arith.constant 8.691400e-02 : bf16
    %mul3A_458 = vector.broadcast %mul3A_457 : bf16 to vector<16x12x1x128xbf16>
    %mul3A_459 = arith.mulf %slice3A_456, %mul3A_458 : vector<16x12x1x128xbf16>
    %add3A_460 = arith.addf %mul3A_455, %mul3A_459 : vector<16x12x1x128xbf16>
    %slice3A_461 = vector.extract_strided_slice %slice3A_278 {offsets = [0, 0, 9, 0], sizes = [16, 12, 1, 128], strides = [1, 1, 1, 1]} : vector<16x12x12x128xbf16> to vector<16x12x1x128xbf16>
    %mul3A_462 = arith.constant 4.355470e-01 : bf16
    %mul3A_463 = vector.broadcast %mul3A_462 : bf16 to vector<16x12x1x128xbf16>
    %mul3A_464 = arith.mulf %slice3A_461, %mul3A_463 : vector<16x12x1x128xbf16>
    %slice3A_465 = vector.extract_strided_slice %slice3A_278 {offsets = [0, 0, 10, 0], sizes = [16, 12, 1, 128], strides = [1, 1, 1, 1]} : vector<16x12x12x128xbf16> to vector<16x12x1x128xbf16>
    %mul3A_466 = arith.constant 5.664060e-01 : bf16
    %mul3A_467 = vector.broadcast %mul3A_466 : bf16 to vector<16x12x1x128xbf16>
    %mul3A_468 = arith.mulf %slice3A_465, %mul3A_467 : vector<16x12x1x128xbf16>
    %add3A_469 = arith.addf %mul3A_464, %mul3A_468 : vector<16x12x1x128xbf16>
    %slice3A_470 = vector.extract_strided_slice %slice3A_278 {offsets = [0, 0, 10, 0], sizes = [16, 12, 1, 128], strides = [1, 1, 1, 1]} : vector<16x12x12x128xbf16> to vector<16x12x1x128xbf16>
    %mul3A_471 = arith.constant 9.570310e-01 : bf16
    %mul3A_472 = vector.broadcast %mul3A_471 : bf16 to vector<16x12x1x128xbf16>
    %mul3A_473 = arith.mulf %slice3A_470, %mul3A_472 : vector<16x12x1x128xbf16>
    %slice3A_474 = vector.extract_strided_slice %slice3A_278 {offsets = [0, 0, 11, 0], sizes = [16, 12, 1, 128], strides = [1, 1, 1, 1]} : vector<16x12x12x128xbf16> to vector<16x12x1x128xbf16>
    %mul3A_475 = arith.constant 4.345700e-02 : bf16
    %mul3A_476 = vector.broadcast %mul3A_475 : bf16 to vector<16x12x1x128xbf16>
    %mul3A_477 = arith.mulf %slice3A_474, %mul3A_476 : vector<16x12x1x128xbf16>
    %add3A_478 = arith.addf %mul3A_473, %mul3A_477 : vector<16x12x1x128xbf16>
    %slice3A_479 = vector.extract_strided_slice %slice3A_278 {offsets = [0, 0, 10, 0], sizes = [16, 12, 1, 128], strides = [1, 1, 1, 1]} : vector<16x12x12x128xbf16> to vector<16x12x1x128xbf16>
    %mul3A_480 = arith.constant 4.785160e-01 : bf16
    %mul3A_481 = vector.broadcast %mul3A_480 : bf16 to vector<16x12x1x128xbf16>
    %mul3A_482 = arith.mulf %slice3A_479, %mul3A_481 : vector<16x12x1x128xbf16>
    %slice3A_483 = vector.extract_strided_slice %slice3A_278 {offsets = [0, 0, 11, 0], sizes = [16, 12, 1, 128], strides = [1, 1, 1, 1]} : vector<16x12x12x128xbf16> to vector<16x12x1x128xbf16>
    %mul3A_484 = arith.constant 5.234380e-01 : bf16
    %mul3A_485 = vector.broadcast %mul3A_484 : bf16 to vector<16x12x1x128xbf16>
    %mul3A_486 = arith.mulf %slice3A_483, %mul3A_485 : vector<16x12x1x128xbf16>
    %add3A_487 = arith.addf %mul3A_482, %mul3A_486 : vector<16x12x1x128xbf16>
    %slice3A_488 = vector.extract_strided_slice %slice3A_278 {offsets = [0, 0, 11, 0], sizes = [16, 12, 1, 128], strides = [1, 1, 1, 1]} : vector<16x12x12x128xbf16> to vector<16x12x1x128xbf16>
    %mul3A_489 = arith.constant 1.000000e+00 : bf16
    %mul3A_490 = vector.broadcast %mul3A_489 : bf16 to vector<16x12x1x128xbf16>
    %mul3A_491 = arith.mulf %slice3A_488, %mul3A_490 : vector<16x12x1x128xbf16>
    %slice3A_492 = vector.extract_strided_slice %slice3A_278 {offsets = [0, 0, 11, 0], sizes = [16, 12, 1, 128], strides = [1, 1, 1, 1]} : vector<16x12x12x128xbf16> to vector<16x12x1x128xbf16>
    %mul3A_493 = arith.constant 0.000000e+00 : bf16
    %mul3A_494 = vector.broadcast %mul3A_493 : bf16 to vector<16x12x1x128xbf16>
    %mul3A_495 = arith.mulf %slice3A_492, %mul3A_494 : vector<16x12x1x128xbf16>
    %add3A_496 = arith.addf %mul3A_491, %mul3A_495 : vector<16x12x1x128xbf16>
    %concatenate3A_497 = tpu.concatenate %broadcast_in_dim3A_280, %add3A_289, %add3A_298, %add3A_307, %add3A_316, %add3A_325, %add3A_334, %add3A_343, %add3A_352, %add3A_361, %add3A_370, %add3A_379, %add3A_388, %add3A_397, %add3A_406, %add3A_415, %add3A_424, %add3A_433, %add3A_442, %add3A_451, %add3A_460, %add3A_469, %add3A_478, %add3A_487, %add3A_496, %broadcast_in_dim3A_280 in 2 : vector<16x12x1x128xbf16>, vector<16x12x1x128xbf16>, vector<16x12x1x128xbf16>, vector<16x12x1x128xbf16>, vector<16x12x1x128xbf16>, vector<16x12x1x128xbf16>, vector<16x12x1x128xbf16>, vector<16x12x1x128xbf16>, vector<16x12x1x128xbf16>, vector<16x12x1x128xbf16>, vector<16x12x1x128xbf16>, vector<16x12x1x128xbf16>, vector<16x12x1x128xbf16>, vector<16x12x1x128xbf16>, vector<16x12x1x128xbf16>, vector<16x12x1x128xbf16>, vector<16x12x1x128xbf16>, vector<16x12x1x128xbf16>, vector<16x12x1x128xbf16>, vector<16x12x1x128xbf16>, vector<16x12x1x128xbf16>, vector<16x12x1x128xbf16>, vector<16x12x1x128xbf16>, vector<16x12x1x128xbf16>, vector<16x12x1x128xbf16>, vector<16x12x1x128xbf16> -> vector<16x12x26x128xbf16>
    %broadcast_in_dim3A_498 = arith.constant 0.000000e+00 : bf16
    %broadcast_in_dim3A_499 = vector.broadcast %broadcast_in_dim3A_498 : bf16 to vector<16x1x26x128xbf16>
    %slice3A_500 = vector.extract_strided_slice %concatenate3A_497 {offsets = [0, 0, 0, 0], sizes = [16, 1, 26, 128], strides = [1, 1, 1, 1]} : vector<16x12x26x128xbf16> to vector<16x1x26x128xbf16>
    %mul3A_501 = arith.constant 1.000000e+00 : bf16
    %mul3A_502 = vector.broadcast %mul3A_501 : bf16 to vector<16x1x26x128xbf16>
    %mul3A_503 = arith.mulf %slice3A_500, %mul3A_502 : vector<16x1x26x128xbf16>
    %slice3A_504 = vector.extract_strided_slice %concatenate3A_497 {offsets = [0, 1, 0, 0], sizes = [16, 1, 26, 128], strides = [1, 1, 1, 1]} : vector<16x12x26x128xbf16> to vector<16x1x26x128xbf16>
    %mul3A_505 = arith.constant 0.000000e+00 : bf16
    %mul3A_506 = vector.broadcast %mul3A_505 : bf16 to vector<16x1x26x128xbf16>
    %mul3A_507 = arith.mulf %slice3A_504, %mul3A_506 : vector<16x1x26x128xbf16>
    %add3A_508 = arith.addf %mul3A_503, %mul3A_507 : vector<16x1x26x128xbf16>
    %slice3A_509 = vector.extract_strided_slice %concatenate3A_497 {offsets = [0, 0, 0, 0], sizes = [16, 1, 26, 128], strides = [1, 1, 1, 1]} : vector<16x12x26x128xbf16> to vector<16x1x26x128xbf16>
    %mul3A_510 = arith.constant 5.234380e-01 : bf16
    %mul3A_511 = vector.broadcast %mul3A_510 : bf16 to vector<16x1x26x128xbf16>
    %mul3A_512 = arith.mulf %slice3A_509, %mul3A_511 : vector<16x1x26x128xbf16>
    %slice3A_513 = vector.extract_strided_slice %concatenate3A_497 {offsets = [0, 1, 0, 0], sizes = [16, 1, 26, 128], strides = [1, 1, 1, 1]} : vector<16x12x26x128xbf16> to vector<16x1x26x128xbf16>
    %mul3A_514 = arith.constant 4.785160e-01 : bf16
    %mul3A_515 = vector.broadcast %mul3A_514 : bf16 to vector<16x1x26x128xbf16>
    %mul3A_516 = arith.mulf %slice3A_513, %mul3A_515 : vector<16x1x26x128xbf16>
    %add3A_517 = arith.addf %mul3A_512, %mul3A_516 : vector<16x1x26x128xbf16>
    %slice3A_518 = vector.extract_strided_slice %concatenate3A_497 {offsets = [0, 0, 0, 0], sizes = [16, 1, 26, 128], strides = [1, 1, 1, 1]} : vector<16x12x26x128xbf16> to vector<16x1x26x128xbf16>
    %mul3A_519 = arith.constant 4.345700e-02 : bf16
    %mul3A_520 = vector.broadcast %mul3A_519 : bf16 to vector<16x1x26x128xbf16>
    %mul3A_521 = arith.mulf %slice3A_518, %mul3A_520 : vector<16x1x26x128xbf16>
    %slice3A_522 = vector.extract_strided_slice %concatenate3A_497 {offsets = [0, 1, 0, 0], sizes = [16, 1, 26, 128], strides = [1, 1, 1, 1]} : vector<16x12x26x128xbf16> to vector<16x1x26x128xbf16>
    %mul3A_523 = arith.constant 9.570310e-01 : bf16
    %mul3A_524 = vector.broadcast %mul3A_523 : bf16 to vector<16x1x26x128xbf16>
    %mul3A_525 = arith.mulf %slice3A_522, %mul3A_524 : vector<16x1x26x128xbf16>
    %add3A_526 = arith.addf %mul3A_521, %mul3A_525 : vector<16x1x26x128xbf16>
    %slice3A_527 = vector.extract_strided_slice %concatenate3A_497 {offsets = [0, 1, 0, 0], sizes = [16, 1, 26, 128], strides = [1, 1, 1, 1]} : vector<16x12x26x128xbf16> to vector<16x1x26x128xbf16>
    %mul3A_528 = arith.constant 5.664060e-01 : bf16
    %mul3A_529 = vector.broadcast %mul3A_528 : bf16 to vector<16x1x26x128xbf16>
    %mul3A_530 = arith.mulf %slice3A_527, %mul3A_529 : vector<16x1x26x128xbf16>
    %slice3A_531 = vector.extract_strided_slice %concatenate3A_497 {offsets = [0, 2, 0, 0], sizes = [16, 1, 26, 128], strides = [1, 1, 1, 1]} : vector<16x12x26x128xbf16> to vector<16x1x26x128xbf16>
    %mul3A_532 = arith.constant 4.355470e-01 : bf16
    %mul3A_533 = vector.broadcast %mul3A_532 : bf16 to vector<16x1x26x128xbf16>
    %mul3A_534 = arith.mulf %slice3A_531, %mul3A_533 : vector<16x1x26x128xbf16>
    %add3A_535 = arith.addf %mul3A_530, %mul3A_534 : vector<16x1x26x128xbf16>
    %slice3A_536 = vector.extract_strided_slice %concatenate3A_497 {offsets = [0, 1, 0, 0], sizes = [16, 1, 26, 128], strides = [1, 1, 1, 1]} : vector<16x12x26x128xbf16> to vector<16x1x26x128xbf16>
    %mul3A_537 = arith.constant 8.691400e-02 : bf16
    %mul3A_538 = vector.broadcast %mul3A_537 : bf16 to vector<16x1x26x128xbf16>
    %mul3A_539 = arith.mulf %slice3A_536, %mul3A_538 : vector<16x1x26x128xbf16>
    %slice3A_540 = vector.extract_strided_slice %concatenate3A_497 {offsets = [0, 2, 0, 0], sizes = [16, 1, 26, 128], strides = [1, 1, 1, 1]} : vector<16x12x26x128xbf16> to vector<16x1x26x128xbf16>
    %mul3A_541 = arith.constant 9.140620e-01 : bf16
    %mul3A_542 = vector.broadcast %mul3A_541 : bf16 to vector<16x1x26x128xbf16>
    %mul3A_543 = arith.mulf %slice3A_540, %mul3A_542 : vector<16x1x26x128xbf16>
    %add3A_544 = arith.addf %mul3A_539, %mul3A_543 : vector<16x1x26x128xbf16>
    %slice3A_545 = vector.extract_strided_slice %concatenate3A_497 {offsets = [0, 2, 0, 0], sizes = [16, 1, 26, 128], strides = [1, 1, 1, 1]} : vector<16x12x26x128xbf16> to vector<16x1x26x128xbf16>
    %mul3A_546 = arith.constant 6.093750e-01 : bf16
    %mul3A_547 = vector.broadcast %mul3A_546 : bf16 to vector<16x1x26x128xbf16>
    %mul3A_548 = arith.mulf %slice3A_545, %mul3A_547 : vector<16x1x26x128xbf16>
    %slice3A_549 = vector.extract_strided_slice %concatenate3A_497 {offsets = [0, 3, 0, 0], sizes = [16, 1, 26, 128], strides = [1, 1, 1, 1]} : vector<16x12x26x128xbf16> to vector<16x1x26x128xbf16>
    %mul3A_550 = arith.constant 3.906250e-01 : bf16
    %mul3A_551 = vector.broadcast %mul3A_550 : bf16 to vector<16x1x26x128xbf16>
    %mul3A_552 = arith.mulf %slice3A_549, %mul3A_551 : vector<16x1x26x128xbf16>
    %add3A_553 = arith.addf %mul3A_548, %mul3A_552 : vector<16x1x26x128xbf16>
    %slice3A_554 = vector.extract_strided_slice %concatenate3A_497 {offsets = [0, 2, 0, 0], sizes = [16, 1, 26, 128], strides = [1, 1, 1, 1]} : vector<16x12x26x128xbf16> to vector<16x1x26x128xbf16>
    %mul3A_555 = arith.constant 1.308590e-01 : bf16
    %mul3A_556 = vector.broadcast %mul3A_555 : bf16 to vector<16x1x26x128xbf16>
    %mul3A_557 = arith.mulf %slice3A_554, %mul3A_556 : vector<16x1x26x128xbf16>
    %slice3A_558 = vector.extract_strided_slice %concatenate3A_497 {offsets = [0, 3, 0, 0], sizes = [16, 1, 26, 128], strides = [1, 1, 1, 1]} : vector<16x12x26x128xbf16> to vector<16x1x26x128xbf16>
    %mul3A_559 = arith.constant 8.710930e-01 : bf16
    %mul3A_560 = vector.broadcast %mul3A_559 : bf16 to vector<16x1x26x128xbf16>
    %mul3A_561 = arith.mulf %slice3A_558, %mul3A_560 : vector<16x1x26x128xbf16>
    %add3A_562 = arith.addf %mul3A_557, %mul3A_561 : vector<16x1x26x128xbf16>
    %slice3A_563 = vector.extract_strided_slice %concatenate3A_497 {offsets = [0, 3, 0, 0], sizes = [16, 1, 26, 128], strides = [1, 1, 1, 1]} : vector<16x12x26x128xbf16> to vector<16x1x26x128xbf16>
    %mul3A_564 = arith.constant 6.523440e-01 : bf16
    %mul3A_565 = vector.broadcast %mul3A_564 : bf16 to vector<16x1x26x128xbf16>
    %mul3A_566 = arith.mulf %slice3A_563, %mul3A_565 : vector<16x1x26x128xbf16>
    %slice3A_567 = vector.extract_strided_slice %concatenate3A_497 {offsets = [0, 4, 0, 0], sizes = [16, 1, 26, 128], strides = [1, 1, 1, 1]} : vector<16x12x26x128xbf16> to vector<16x1x26x128xbf16>
    %mul3A_568 = arith.constant 3.476560e-01 : bf16
    %mul3A_569 = vector.broadcast %mul3A_568 : bf16 to vector<16x1x26x128xbf16>
    %mul3A_570 = arith.mulf %slice3A_567, %mul3A_569 : vector<16x1x26x128xbf16>
    %add3A_571 = arith.addf %mul3A_566, %mul3A_570 : vector<16x1x26x128xbf16>
    %slice3A_572 = vector.extract_strided_slice %concatenate3A_497 {offsets = [0, 3, 0, 0], sizes = [16, 1, 26, 128], strides = [1, 1, 1, 1]} : vector<16x12x26x128xbf16> to vector<16x1x26x128xbf16>
    %mul3A_573 = arith.constant 1.738280e-01 : bf16
    %mul3A_574 = vector.broadcast %mul3A_573 : bf16 to vector<16x1x26x128xbf16>
    %mul3A_575 = arith.mulf %slice3A_572, %mul3A_574 : vector<16x1x26x128xbf16>
    %slice3A_576 = vector.extract_strided_slice %concatenate3A_497 {offsets = [0, 4, 0, 0], sizes = [16, 1, 26, 128], strides = [1, 1, 1, 1]} : vector<16x12x26x128xbf16> to vector<16x1x26x128xbf16>
    %mul3A_577 = arith.constant 8.242180e-01 : bf16
    %mul3A_578 = vector.broadcast %mul3A_577 : bf16 to vector<16x1x26x128xbf16>
    %mul3A_579 = arith.mulf %slice3A_576, %mul3A_578 : vector<16x1x26x128xbf16>
    %add3A_580 = arith.addf %mul3A_575, %mul3A_579 : vector<16x1x26x128xbf16>
    %slice3A_581 = vector.extract_strided_slice %concatenate3A_497 {offsets = [0, 4, 0, 0], sizes = [16, 1, 26, 128], strides = [1, 1, 1, 1]} : vector<16x12x26x128xbf16> to vector<16x1x26x128xbf16>
    %mul3A_582 = arith.constant 6.953130e-01 : bf16
    %mul3A_583 = vector.broadcast %mul3A_582 : bf16 to vector<16x1x26x128xbf16>
    %mul3A_584 = arith.mulf %slice3A_581, %mul3A_583 : vector<16x1x26x128xbf16>
    %slice3A_585 = vector.extract_strided_slice %concatenate3A_497 {offsets = [0, 5, 0, 0], sizes = [16, 1, 26, 128], strides = [1, 1, 1, 1]} : vector<16x12x26x128xbf16> to vector<16x1x26x128xbf16>
    %mul3A_586 = arith.constant 3.046880e-01 : bf16
    %mul3A_587 = vector.broadcast %mul3A_586 : bf16 to vector<16x1x26x128xbf16>
    %mul3A_588 = arith.mulf %slice3A_585, %mul3A_587 : vector<16x1x26x128xbf16>
    %add3A_589 = arith.addf %mul3A_584, %mul3A_588 : vector<16x1x26x128xbf16>
    %slice3A_590 = vector.extract_strided_slice %concatenate3A_497 {offsets = [0, 4, 0, 0], sizes = [16, 1, 26, 128], strides = [1, 1, 1, 1]} : vector<16x12x26x128xbf16> to vector<16x1x26x128xbf16>
    %mul3A_591 = arith.constant 2.177730e-01 : bf16
    %mul3A_592 = vector.broadcast %mul3A_591 : bf16 to vector<16x1x26x128xbf16>
    %mul3A_593 = arith.mulf %slice3A_590, %mul3A_592 : vector<16x1x26x128xbf16>
    %slice3A_594 = vector.extract_strided_slice %concatenate3A_497 {offsets = [0, 5, 0, 0], sizes = [16, 1, 26, 128], strides = [1, 1, 1, 1]} : vector<16x12x26x128xbf16> to vector<16x1x26x128xbf16>
    %mul3A_595 = arith.constant 7.812500e-01 : bf16
    %mul3A_596 = vector.broadcast %mul3A_595 : bf16 to vector<16x1x26x128xbf16>
    %mul3A_597 = arith.mulf %slice3A_594, %mul3A_596 : vector<16x1x26x128xbf16>
    %add3A_598 = arith.addf %mul3A_593, %mul3A_597 : vector<16x1x26x128xbf16>
    %slice3A_599 = vector.extract_strided_slice %concatenate3A_497 {offsets = [0, 5, 0, 0], sizes = [16, 1, 26, 128], strides = [1, 1, 1, 1]} : vector<16x12x26x128xbf16> to vector<16x1x26x128xbf16>
    %mul3A_600 = arith.constant 7.382810e-01 : bf16
    %mul3A_601 = vector.broadcast %mul3A_600 : bf16 to vector<16x1x26x128xbf16>
    %mul3A_602 = arith.mulf %slice3A_599, %mul3A_601 : vector<16x1x26x128xbf16>
    %slice3A_603 = vector.extract_strided_slice %concatenate3A_497 {offsets = [0, 6, 0, 0], sizes = [16, 1, 26, 128], strides = [1, 1, 1, 1]} : vector<16x12x26x128xbf16> to vector<16x1x26x128xbf16>
    %mul3A_604 = arith.constant 2.617190e-01 : bf16
    %mul3A_605 = vector.broadcast %mul3A_604 : bf16 to vector<16x1x26x128xbf16>
    %mul3A_606 = arith.mulf %slice3A_603, %mul3A_605 : vector<16x1x26x128xbf16>
    %add3A_607 = arith.addf %mul3A_602, %mul3A_606 : vector<16x1x26x128xbf16>
    %slice3A_608 = vector.extract_strided_slice %concatenate3A_497 {offsets = [0, 5, 0, 0], sizes = [16, 1, 26, 128], strides = [1, 1, 1, 1]} : vector<16x12x26x128xbf16> to vector<16x1x26x128xbf16>
    %mul3A_609 = arith.constant 2.617190e-01 : bf16
    %mul3A_610 = vector.broadcast %mul3A_609 : bf16 to vector<16x1x26x128xbf16>
    %mul3A_611 = arith.mulf %slice3A_608, %mul3A_610 : vector<16x1x26x128xbf16>
    %slice3A_612 = vector.extract_strided_slice %concatenate3A_497 {offsets = [0, 6, 0, 0], sizes = [16, 1, 26, 128], strides = [1, 1, 1, 1]} : vector<16x12x26x128xbf16> to vector<16x1x26x128xbf16>
    %mul3A_613 = arith.constant 7.382810e-01 : bf16
    %mul3A_614 = vector.broadcast %mul3A_613 : bf16 to vector<16x1x26x128xbf16>
    %mul3A_615 = arith.mulf %slice3A_612, %mul3A_614 : vector<16x1x26x128xbf16>
    %add3A_616 = arith.addf %mul3A_611, %mul3A_615 : vector<16x1x26x128xbf16>
    %slice3A_617 = vector.extract_strided_slice %concatenate3A_497 {offsets = [0, 6, 0, 0], sizes = [16, 1, 26, 128], strides = [1, 1, 1, 1]} : vector<16x12x26x128xbf16> to vector<16x1x26x128xbf16>
    %mul3A_618 = arith.constant 7.812500e-01 : bf16
    %mul3A_619 = vector.broadcast %mul3A_618 : bf16 to vector<16x1x26x128xbf16>
    %mul3A_620 = arith.mulf %slice3A_617, %mul3A_619 : vector<16x1x26x128xbf16>
    %slice3A_621 = vector.extract_strided_slice %concatenate3A_497 {offsets = [0, 7, 0, 0], sizes = [16, 1, 26, 128], strides = [1, 1, 1, 1]} : vector<16x12x26x128xbf16> to vector<16x1x26x128xbf16>
    %mul3A_622 = arith.constant 2.177730e-01 : bf16
    %mul3A_623 = vector.broadcast %mul3A_622 : bf16 to vector<16x1x26x128xbf16>
    %mul3A_624 = arith.mulf %slice3A_621, %mul3A_623 : vector<16x1x26x128xbf16>
    %add3A_625 = arith.addf %mul3A_620, %mul3A_624 : vector<16x1x26x128xbf16>
    %slice3A_626 = vector.extract_strided_slice %concatenate3A_497 {offsets = [0, 6, 0, 0], sizes = [16, 1, 26, 128], strides = [1, 1, 1, 1]} : vector<16x12x26x128xbf16> to vector<16x1x26x128xbf16>
    %mul3A_627 = arith.constant 3.046880e-01 : bf16
    %mul3A_628 = vector.broadcast %mul3A_627 : bf16 to vector<16x1x26x128xbf16>
    %mul3A_629 = arith.mulf %slice3A_626, %mul3A_628 : vector<16x1x26x128xbf16>
    %slice3A_630 = vector.extract_strided_slice %concatenate3A_497 {offsets = [0, 7, 0, 0], sizes = [16, 1, 26, 128], strides = [1, 1, 1, 1]} : vector<16x12x26x128xbf16> to vector<16x1x26x128xbf16>
    %mul3A_631 = arith.constant 6.953130e-01 : bf16
    %mul3A_632 = vector.broadcast %mul3A_631 : bf16 to vector<16x1x26x128xbf16>
    %mul3A_633 = arith.mulf %slice3A_630, %mul3A_632 : vector<16x1x26x128xbf16>
    %add3A_634 = arith.addf %mul3A_629, %mul3A_633 : vector<16x1x26x128xbf16>
    %slice3A_635 = vector.extract_strided_slice %concatenate3A_497 {offsets = [0, 7, 0, 0], sizes = [16, 1, 26, 128], strides = [1, 1, 1, 1]} : vector<16x12x26x128xbf16> to vector<16x1x26x128xbf16>
    %mul3A_636 = arith.constant 8.242180e-01 : bf16
    %mul3A_637 = vector.broadcast %mul3A_636 : bf16 to vector<16x1x26x128xbf16>
    %mul3A_638 = arith.mulf %slice3A_635, %mul3A_637 : vector<16x1x26x128xbf16>
    %slice3A_639 = vector.extract_strided_slice %concatenate3A_497 {offsets = [0, 8, 0, 0], sizes = [16, 1, 26, 128], strides = [1, 1, 1, 1]} : vector<16x12x26x128xbf16> to vector<16x1x26x128xbf16>
    %mul3A_640 = arith.constant 1.738280e-01 : bf16
    %mul3A_641 = vector.broadcast %mul3A_640 : bf16 to vector<16x1x26x128xbf16>
    %mul3A_642 = arith.mulf %slice3A_639, %mul3A_641 : vector<16x1x26x128xbf16>
    %add3A_643 = arith.addf %mul3A_638, %mul3A_642 : vector<16x1x26x128xbf16>
    %slice3A_644 = vector.extract_strided_slice %concatenate3A_497 {offsets = [0, 7, 0, 0], sizes = [16, 1, 26, 128], strides = [1, 1, 1, 1]} : vector<16x12x26x128xbf16> to vector<16x1x26x128xbf16>
    %mul3A_645 = arith.constant 3.476560e-01 : bf16
    %mul3A_646 = vector.broadcast %mul3A_645 : bf16 to vector<16x1x26x128xbf16>
    %mul3A_647 = arith.mulf %slice3A_644, %mul3A_646 : vector<16x1x26x128xbf16>
    %slice3A_648 = vector.extract_strided_slice %concatenate3A_497 {offsets = [0, 8, 0, 0], sizes = [16, 1, 26, 128], strides = [1, 1, 1, 1]} : vector<16x12x26x128xbf16> to vector<16x1x26x128xbf16>
    %mul3A_649 = arith.constant 6.523440e-01 : bf16
    %mul3A_650 = vector.broadcast %mul3A_649 : bf16 to vector<16x1x26x128xbf16>
    %mul3A_651 = arith.mulf %slice3A_648, %mul3A_650 : vector<16x1x26x128xbf16>
    %add3A_652 = arith.addf %mul3A_647, %mul3A_651 : vector<16x1x26x128xbf16>
    %slice3A_653 = vector.extract_strided_slice %concatenate3A_497 {offsets = [0, 8, 0, 0], sizes = [16, 1, 26, 128], strides = [1, 1, 1, 1]} : vector<16x12x26x128xbf16> to vector<16x1x26x128xbf16>
    %mul3A_654 = arith.constant 8.710930e-01 : bf16
    %mul3A_655 = vector.broadcast %mul3A_654 : bf16 to vector<16x1x26x128xbf16>
    %mul3A_656 = arith.mulf %slice3A_653, %mul3A_655 : vector<16x1x26x128xbf16>
    %slice3A_657 = vector.extract_strided_slice %concatenate3A_497 {offsets = [0, 9, 0, 0], sizes = [16, 1, 26, 128], strides = [1, 1, 1, 1]} : vector<16x12x26x128xbf16> to vector<16x1x26x128xbf16>
    %mul3A_658 = arith.constant 1.308590e-01 : bf16
    %mul3A_659 = vector.broadcast %mul3A_658 : bf16 to vector<16x1x26x128xbf16>
    %mul3A_660 = arith.mulf %slice3A_657, %mul3A_659 : vector<16x1x26x128xbf16>
    %add3A_661 = arith.addf %mul3A_656, %mul3A_660 : vector<16x1x26x128xbf16>
    %slice3A_662 = vector.extract_strided_slice %concatenate3A_497 {offsets = [0, 8, 0, 0], sizes = [16, 1, 26, 128], strides = [1, 1, 1, 1]} : vector<16x12x26x128xbf16> to vector<16x1x26x128xbf16>
    %mul3A_663 = arith.constant 3.906250e-01 : bf16
    %mul3A_664 = vector.broadcast %mul3A_663 : bf16 to vector<16x1x26x128xbf16>
    %mul3A_665 = arith.mulf %slice3A_662, %mul3A_664 : vector<16x1x26x128xbf16>
    %slice3A_666 = vector.extract_strided_slice %concatenate3A_497 {offsets = [0, 9, 0, 0], sizes = [16, 1, 26, 128], strides = [1, 1, 1, 1]} : vector<16x12x26x128xbf16> to vector<16x1x26x128xbf16>
    %mul3A_667 = arith.constant 6.093750e-01 : bf16
    %mul3A_668 = vector.broadcast %mul3A_667 : bf16 to vector<16x1x26x128xbf16>
    %mul3A_669 = arith.mulf %slice3A_666, %mul3A_668 : vector<16x1x26x128xbf16>
    %add3A_670 = arith.addf %mul3A_665, %mul3A_669 : vector<16x1x26x128xbf16>
    %slice3A_671 = vector.extract_strided_slice %concatenate3A_497 {offsets = [0, 9, 0, 0], sizes = [16, 1, 26, 128], strides = [1, 1, 1, 1]} : vector<16x12x26x128xbf16> to vector<16x1x26x128xbf16>
    %mul3A_672 = arith.constant 9.140620e-01 : bf16
    %mul3A_673 = vector.broadcast %mul3A_672 : bf16 to vector<16x1x26x128xbf16>
    %mul3A_674 = arith.mulf %slice3A_671, %mul3A_673 : vector<16x1x26x128xbf16>
    %slice3A_675 = vector.extract_strided_slice %concatenate3A_497 {offsets = [0, 10, 0, 0], sizes = [16, 1, 26, 128], strides = [1, 1, 1, 1]} : vector<16x12x26x128xbf16> to vector<16x1x26x128xbf16>
    %mul3A_676 = arith.constant 8.691400e-02 : bf16
    %mul3A_677 = vector.broadcast %mul3A_676 : bf16 to vector<16x1x26x128xbf16>
    %mul3A_678 = arith.mulf %slice3A_675, %mul3A_677 : vector<16x1x26x128xbf16>
    %add3A_679 = arith.addf %mul3A_674, %mul3A_678 : vector<16x1x26x128xbf16>
    %slice3A_680 = vector.extract_strided_slice %concatenate3A_497 {offsets = [0, 9, 0, 0], sizes = [16, 1, 26, 128], strides = [1, 1, 1, 1]} : vector<16x12x26x128xbf16> to vector<16x1x26x128xbf16>
    %mul3A_681 = arith.constant 4.355470e-01 : bf16
    %mul3A_682 = vector.broadcast %mul3A_681 : bf16 to vector<16x1x26x128xbf16>
    %mul3A_683 = arith.mulf %slice3A_680, %mul3A_682 : vector<16x1x26x128xbf16>
    %slice3A_684 = vector.extract_strided_slice %concatenate3A_497 {offsets = [0, 10, 0, 0], sizes = [16, 1, 26, 128], strides = [1, 1, 1, 1]} : vector<16x12x26x128xbf16> to vector<16x1x26x128xbf16>
    %mul3A_685 = arith.constant 5.664060e-01 : bf16
    %mul3A_686 = vector.broadcast %mul3A_685 : bf16 to vector<16x1x26x128xbf16>
    %mul3A_687 = arith.mulf %slice3A_684, %mul3A_686 : vector<16x1x26x128xbf16>
    %add3A_688 = arith.addf %mul3A_683, %mul3A_687 : vector<16x1x26x128xbf16>
    %slice3A_689 = vector.extract_strided_slice %concatenate3A_497 {offsets = [0, 10, 0, 0], sizes = [16, 1, 26, 128], strides = [1, 1, 1, 1]} : vector<16x12x26x128xbf16> to vector<16x1x26x128xbf16>
    %mul3A_690 = arith.constant 9.570310e-01 : bf16
    %mul3A_691 = vector.broadcast %mul3A_690 : bf16 to vector<16x1x26x128xbf16>
    %mul3A_692 = arith.mulf %slice3A_689, %mul3A_691 : vector<16x1x26x128xbf16>
    %slice3A_693 = vector.extract_strided_slice %concatenate3A_497 {offsets = [0, 11, 0, 0], sizes = [16, 1, 26, 128], strides = [1, 1, 1, 1]} : vector<16x12x26x128xbf16> to vector<16x1x26x128xbf16>
    %mul3A_694 = arith.constant 4.345700e-02 : bf16
    %mul3A_695 = vector.broadcast %mul3A_694 : bf16 to vector<16x1x26x128xbf16>
    %mul3A_696 = arith.mulf %slice3A_693, %mul3A_695 : vector<16x1x26x128xbf16>
    %add3A_697 = arith.addf %mul3A_692, %mul3A_696 : vector<16x1x26x128xbf16>
    %slice3A_698 = vector.extract_strided_slice %concatenate3A_497 {offsets = [0, 10, 0, 0], sizes = [16, 1, 26, 128], strides = [1, 1, 1, 1]} : vector<16x12x26x128xbf16> to vector<16x1x26x128xbf16>
    %mul3A_699 = arith.constant 4.785160e-01 : bf16
    %mul3A_700 = vector.broadcast %mul3A_699 : bf16 to vector<16x1x26x128xbf16>
    %mul3A_701 = arith.mulf %slice3A_698, %mul3A_700 : vector<16x1x26x128xbf16>
    %slice3A_702 = vector.extract_strided_slice %concatenate3A_497 {offsets = [0, 11, 0, 0], sizes = [16, 1, 26, 128], strides = [1, 1, 1, 1]} : vector<16x12x26x128xbf16> to vector<16x1x26x128xbf16>
    %mul3A_703 = arith.constant 5.234380e-01 : bf16
    %mul3A_704 = vector.broadcast %mul3A_703 : bf16 to vector<16x1x26x128xbf16>
    %mul3A_705 = arith.mulf %slice3A_702, %mul3A_704 : vector<16x1x26x128xbf16>
    %add3A_706 = arith.addf %mul3A_701, %mul3A_705 : vector<16x1x26x128xbf16>
    %slice3A_707 = vector.extract_strided_slice %concatenate3A_497 {offsets = [0, 11, 0, 0], sizes = [16, 1, 26, 128], strides = [1, 1, 1, 1]} : vector<16x12x26x128xbf16> to vector<16x1x26x128xbf16>
    %mul3A_708 = arith.constant 1.000000e+00 : bf16
    %mul3A_709 = vector.broadcast %mul3A_708 : bf16 to vector<16x1x26x128xbf16>
    %mul3A_710 = arith.mulf %slice3A_707, %mul3A_709 : vector<16x1x26x128xbf16>
    %slice3A_711 = vector.extract_strided_slice %concatenate3A_497 {offsets = [0, 11, 0, 0], sizes = [16, 1, 26, 128], strides = [1, 1, 1, 1]} : vector<16x12x26x128xbf16> to vector<16x1x26x128xbf16>
    %mul3A_712 = arith.constant 0.000000e+00 : bf16
    %mul3A_713 = vector.broadcast %mul3A_712 : bf16 to vector<16x1x26x128xbf16>
    %mul3A_714 = arith.mulf %slice3A_711, %mul3A_713 : vector<16x1x26x128xbf16>
    %add3A_715 = arith.addf %mul3A_710, %mul3A_714 : vector<16x1x26x128xbf16>
    %concatenate3A_716 = tpu.concatenate %broadcast_in_dim3A_499, %add3A_508, %add3A_517, %add3A_526, %add3A_535, %add3A_544, %add3A_553, %add3A_562, %add3A_571, %add3A_580, %add3A_589, %add3A_598, %add3A_607, %add3A_616, %add3A_625, %add3A_634, %add3A_643, %add3A_652, %add3A_661, %add3A_670, %add3A_679, %add3A_688, %add3A_697, %add3A_706, %add3A_715, %broadcast_in_dim3A_499 in 1 : vector<16x1x26x128xbf16>, vector<16x1x26x128xbf16>, vector<16x1x26x128xbf16>, vector<16x1x26x128xbf16>, vector<16x1x26x128xbf16>, vector<16x1x26x128xbf16>, vector<16x1x26x128xbf16>, vector<16x1x26x128xbf16>, vector<16x1x26x128xbf16>, vector<16x1x26x128xbf16>, vector<16x1x26x128xbf16>, vector<16x1x26x128xbf16>, vector<16x1x26x128xbf16>, vector<16x1x26x128xbf16>, vector<16x1x26x128xbf16>, vector<16x1x26x128xbf16>, vector<16x1x26x128xbf16>, vector<16x1x26x128xbf16>, vector<16x1x26x128xbf16>, vector<16x1x26x128xbf16>, vector<16x1x26x128xbf16>, vector<16x1x26x128xbf16>, vector<16x1x26x128xbf16>, vector<16x1x26x128xbf16>, vector<16x1x26x128xbf16>, vector<16x1x26x128xbf16> -> vector<16x26x26x128xbf16>
    %slice3A_717 = vector.extract_strided_slice %concatenate3A_716 {offsets = [0, 0, 0, 0], sizes = [16, 24, 24, 128], strides = [1, 1, 1, 1]} : vector<16x26x26x128xbf16> to vector<16x24x24x128xbf16>
    %slice3A_718 = vector.extract_strided_slice %concatenate3A_716 {offsets = [0, 0, 1, 0], sizes = [16, 24, 24, 128], strides = [1, 1, 1, 1]} : vector<16x26x26x128xbf16> to vector<16x24x24x128xbf16>
    %slice3A_719 = vector.extract_strided_slice %concatenate3A_716 {offsets = [0, 0, 2, 0], sizes = [16, 24, 24, 128], strides = [1, 1, 1, 1]} : vector<16x26x26x128xbf16> to vector<16x24x24x128xbf16>
    %slice3A_720 = vector.extract_strided_slice %concatenate3A_716 {offsets = [0, 1, 0, 0], sizes = [16, 24, 24, 128], strides = [1, 1, 1, 1]} : vector<16x26x26x128xbf16> to vector<16x24x24x128xbf16>
    %slice3A_721 = vector.extract_strided_slice %concatenate3A_716 {offsets = [0, 1, 1, 0], sizes = [16, 24, 24, 128], strides = [1, 1, 1, 1]} : vector<16x26x26x128xbf16> to vector<16x24x24x128xbf16>
    %slice3A_722 = vector.extract_strided_slice %concatenate3A_716 {offsets = [0, 1, 2, 0], sizes = [16, 24, 24, 128], strides = [1, 1, 1, 1]} : vector<16x26x26x128xbf16> to vector<16x24x24x128xbf16>
    %slice3A_723 = vector.extract_strided_slice %concatenate3A_716 {offsets = [0, 2, 0, 0], sizes = [16, 24, 24, 128], strides = [1, 1, 1, 1]} : vector<16x26x26x128xbf16> to vector<16x24x24x128xbf16>
    %slice3A_724 = vector.extract_strided_slice %concatenate3A_716 {offsets = [0, 2, 1, 0], sizes = [16, 24, 24, 128], strides = [1, 1, 1, 1]} : vector<16x26x26x128xbf16> to vector<16x24x24x128xbf16>
    %slice3A_725 = vector.extract_strided_slice %concatenate3A_716 {offsets = [0, 2, 2, 0], sizes = [16, 24, 24, 128], strides = [1, 1, 1, 1]} : vector<16x26x26x128xbf16> to vector<16x24x24x128xbf16>
    %concatenate3A_726 = tpu.concatenate %slice3A_717, %slice3A_718, %slice3A_719, %slice3A_720, %slice3A_721, %slice3A_722, %slice3A_723, %slice3A_724, %slice3A_725 in 3 : vector<16x24x24x128xbf16>, vector<16x24x24x128xbf16>, vector<16x24x24x128xbf16>, vector<16x24x24x128xbf16>, vector<16x24x24x128xbf16>, vector<16x24x24x128xbf16>, vector<16x24x24x128xbf16>, vector<16x24x24x128xbf16>, vector<16x24x24x128xbf16> -> vector<16x24x24x1152xbf16>
    %reshape3A_727 = vector.shape_cast %concatenate3A_726 : vector<16x24x24x1152xbf16> to vector<9216x1152xbf16>
    %get3A_728 = arith.constant 0 : index
    %get3A_729 = arith.constant 0 : index
    %get3A_730 = vector.load %arg4[%get3A_728, %get3A_729] : memref<1152x128xbf16, #tpu.memory_space<vmem>>, vector<1152x128xbf16>
    %dot_general3A_731 = arith.constant dense<0.000000e+00> : vector<9216x128xf32>
    %dot_general3A_732 = tpu.matmul %reshape3A_727, %get3A_730, %dot_general3A_731 {dimension_numbers = #tpu.dot_dimension_numbers<[1], [0], [0], [1], [0, 0, 1, 1], [], []>, transpose_lhs_hint = false} : vector<9216x1152xbf16>, vector<1152x128xbf16>, vector<9216x128xf32> -> vector<9216x128xf32>
    %get3A_733 = arith.constant 0 : index
    %get3A_734 = arith.constant 0 : index
    %get3A_735 = vector.load %arg5[%get3A_733, %get3A_734] : memref<1x128xf32, #tpu.memory_space<vmem>>, vector<1x128xf32>
    %add3A_736 = vector.broadcast %get3A_735 : vector<1x128xf32> to vector<9216x128xf32>
    %add3A_737 = arith.addf %dot_general3A_732, %add3A_736 : vector<9216x128xf32>
    %max3A_738 = arith.constant 0.000000e+00 : f32
    %max3A_739 = vector.broadcast %max3A_738 : f32 to vector<9216x128xf32>
    %max3A_740 = arith.maximumf %add3A_737, %max3A_739 : vector<9216x128xf32>
    %get3A_741 = arith.constant 0 : index
    %get3A_742 = arith.constant 0 : index
    %get3A_743 = vector.load %arg6[%get3A_741, %get3A_742] : memref<128x9xf32, #tpu.memory_space<vmem>>, vector<128x9xf32>
    %dot_general3A_744 = arith.constant dense<0.000000e+00> : vector<9216x9xf32>
    %dot_general3A_745 = tpu.matmul %max3A_740, %get3A_743, %dot_general3A_744 {dimension_numbers = #tpu.dot_dimension_numbers<[1], [0], [0], [1], [0, 0, 1, 1], [], []>, transpose_lhs_hint = false} : vector<9216x128xf32>, vector<128x9xf32>, vector<9216x9xf32> -> vector<9216x9xf32>
    %reshape3A_746 = vector.shape_cast %dot_general3A_745 : vector<9216x9xf32> to vector<16x24x24x9xf32>
    %broadcast_in_dim3A_747 = arith.constant 0.000000e+00 : f32
    %broadcast_in_dim3A_748 = vector.broadcast %broadcast_in_dim3A_747 : f32 to vector<16x24x1x9xf32>
    %concatenate3A_749 = tpu.concatenate %broadcast_in_dim3A_748, %reshape3A_746, %broadcast_in_dim3A_748 in 2 : vector<16x24x1x9xf32>, vector<16x24x24x9xf32>, vector<16x24x1x9xf32> -> vector<16x24x26x9xf32>
    %broadcast_in_dim3A_750 = arith.constant 0.000000e+00 : f32
    %broadcast_in_dim3A_751 = vector.broadcast %broadcast_in_dim3A_750 : f32 to vector<16x1x26x9xf32>
    %concatenate3A_752 = tpu.concatenate %broadcast_in_dim3A_751, %concatenate3A_749, %broadcast_in_dim3A_751 in 1 : vector<16x1x26x9xf32>, vector<16x24x26x9xf32>, vector<16x1x26x9xf32> -> vector<16x26x26x9xf32>
    %broadcast_in_dim3A_753 = arith.constant 0.000000e+00 : f32
    %broadcast_in_dim3A_754 = vector.broadcast %broadcast_in_dim3A_753 : f32 to vector<16x24x24x1xf32>
    %slice3A_755 = vector.extract_strided_slice %concatenate3A_752 {offsets = [0, 0, 0, 0], sizes = [16, 24, 24, 1], strides = [1, 1, 1, 1]} : vector<16x26x26x9xf32> to vector<16x24x24x1xf32>
    %add3A_756 = arith.addf %broadcast_in_dim3A_754, %slice3A_755 : vector<16x24x24x1xf32>
    %slice3A_757 = vector.extract_strided_slice %concatenate3A_752 {offsets = [0, 0, 1, 1], sizes = [16, 24, 24, 1], strides = [1, 1, 1, 1]} : vector<16x26x26x9xf32> to vector<16x24x24x1xf32>
    %add3A_758 = arith.addf %add3A_756, %slice3A_757 : vector<16x24x24x1xf32>
    %slice3A_759 = vector.extract_strided_slice %concatenate3A_752 {offsets = [0, 0, 2, 2], sizes = [16, 24, 24, 1], strides = [1, 1, 1, 1]} : vector<16x26x26x9xf32> to vector<16x24x24x1xf32>
    %add3A_760 = arith.addf %add3A_758, %slice3A_759 : vector<16x24x24x1xf32>
    %slice3A_761 = vector.extract_strided_slice %concatenate3A_752 {offsets = [0, 1, 0, 3], sizes = [16, 24, 24, 1], strides = [1, 1, 1, 1]} : vector<16x26x26x9xf32> to vector<16x24x24x1xf32>
    %add3A_762 = arith.addf %add3A_760, %slice3A_761 : vector<16x24x24x1xf32>
    %slice3A_763 = vector.extract_strided_slice %concatenate3A_752 {offsets = [0, 1, 1, 4], sizes = [16, 24, 24, 1], strides = [1, 1, 1, 1]} : vector<16x26x26x9xf32> to vector<16x24x24x1xf32>
    %add3A_764 = arith.addf %add3A_762, %slice3A_763 : vector<16x24x24x1xf32>
    %slice3A_765 = vector.extract_strided_slice %concatenate3A_752 {offsets = [0, 1, 2, 5], sizes = [16, 24, 24, 1], strides = [1, 1, 1, 1]} : vector<16x26x26x9xf32> to vector<16x24x24x1xf32>
    %add3A_766 = arith.addf %add3A_764, %slice3A_765 : vector<16x24x24x1xf32>
    %slice3A_767 = vector.extract_strided_slice %concatenate3A_752 {offsets = [0, 2, 0, 6], sizes = [16, 24, 24, 1], strides = [1, 1, 1, 1]} : vector<16x26x26x9xf32> to vector<16x24x24x1xf32>
    %add3A_768 = arith.addf %add3A_766, %slice3A_767 : vector<16x24x24x1xf32>
    %slice3A_769 = vector.extract_strided_slice %concatenate3A_752 {offsets = [0, 2, 1, 7], sizes = [16, 24, 24, 1], strides = [1, 1, 1, 1]} : vector<16x26x26x9xf32> to vector<16x24x24x1xf32>
    %add3A_770 = arith.addf %add3A_768, %slice3A_769 : vector<16x24x24x1xf32>
    %slice3A_771 = vector.extract_strided_slice %concatenate3A_752 {offsets = [0, 2, 2, 8], sizes = [16, 24, 24, 1], strides = [1, 1, 1, 1]} : vector<16x26x26x9xf32> to vector<16x24x24x1xf32>
    %add3A_772 = arith.addf %add3A_770, %slice3A_771 : vector<16x24x24x1xf32>
    %reshape3A_773 = vector.shape_cast %add3A_772 : vector<16x24x24x1xf32> to vector<9216x1xf32>
    %get3A_774 = arith.constant 0 : index
    %get3A_775 = arith.constant 0 : index
    %get3A_776 = vector.load %arg7[%get3A_774, %get3A_775] : memref<1x1xf32, #tpu.memory_space<vmem>>, vector<1x1xf32>
    %add3A_777 = vector.broadcast %get3A_776 : vector<1x1xf32> to vector<9216x1xf32>
    %add3A_778 = arith.addf %reshape3A_773, %add3A_777 : vector<9216x1xf32>
    %logistic3A = arith.negf %add3A_778 : vector<9216x1xf32>
    %logistic3A_779 = math.exp %logistic3A : vector<9216x1xf32>
    %logistic3A_780 = arith.constant 1.000000e+00 : f32
    %logistic3A_781 = vector.broadcast %logistic3A_780 : f32 to vector<9216x1xf32>
    %logistic3A_782 = arith.addf %logistic3A_781, %logistic3A_779 : vector<9216x1xf32>
    %logistic3A_783 = arith.divf %logistic3A_781, %logistic3A_782 : vector<9216x1xf32>
    %swap3A = arith.constant 0 : index
    %swap3A_784 = arith.constant 0 : index
    %swap3A_785 = vector.load %arg8[%swap3A, %swap3A_784] : memref<9216x1xf32, #tpu.memory_space<vmem>>, vector<9216x1xf32>
    tpu.vector_store %arg8[%swap3A, %swap3A_784], %logistic3A_783 {strides = array<i32>} : memref<9216x1xf32, #tpu.memory_space<vmem>>, vector<9216x1xf32>,
    return
  }
  func.func @transform_0(%arg0: i32) -> (i32, i32, i32, i32) {
    %c0_i32 = arith.constant 0 : i32
    %c0_i32_0 = arith.constant 0 : i32
    %c0_i32_1 = arith.constant 0 : i32
    %c0_i32_2 = arith.constant 0 : i32
    return %arg0, %c0_i32, %c0_i32_0, %c0_i32_1 : i32, i32, i32, i32
  }
  func.func @transform_1(%arg0: i32) -> (i32, i32) {
    %c0_i32 = arith.constant 0 : i32
    %c0_i32_0 = arith.constant 0 : i32
    %c0_i32_1 = arith.constant 0 : i32
    return %c0_i32, %c0_i32_0 : i32, i32
  }
  func.func @transform_2(%arg0: i32) -> (i32, i32) {
    %c0_i32 = arith.constant 0 : i32
    %c0_i32_0 = arith.constant 0 : i32
    %c0_i32_1 = arith.constant 0 : i32
    return %c0_i32, %c0_i32_0 : i32, i32
  }
  func.func @transform_3(%arg0: i32) -> (i32, i32) {
    %c0_i32 = arith.constant 0 : i32
    %c0_i32_0 = arith.constant 0 : i32
    %c0_i32_1 = arith.constant 0 : i32
    return %c0_i32, %c0_i32_0 : i32, i32
  }
  func.func @transform_4(%arg0: i32) -> (i32, i32) {
    %c0_i32 = arith.constant 0 : i32
    %c0_i32_0 = arith.constant 0 : i32
    %c0_i32_1 = arith.constant 0 : i32
    return %c0_i32, %c0_i32_0 : i32, i32
  }
  func.func @transform_5(%arg0: i32) -> (i32, i32) {
    %c0_i32 = arith.constant 0 : i32
    %c0_i32_0 = arith.constant 0 : i32
    %c0_i32_1 = arith.constant 0 : i32
    return %c0_i32, %c0_i32_0 : i32, i32
  }
  func.func @transform_6(%arg0: i32) -> (i32, i32) {
    %c0_i32 = arith.constant 0 : i32
    %c0_i32_0 = arith.constant 0 : i32
    %c0_i32_1 = arith.constant 0 : i32
    return %c0_i32, %c0_i32_0 : i32, i32
  }
  func.func @transform_7(%arg0: i32) -> (i32, i32) {
    %c0_i32 = arith.constant 0 : i32
    %c0_i32_0 = arith.constant 0 : i32
    return %arg0, %c0_i32 : i32, i32
  }
}

</mosaic_0001>

<sc_bundles>
// kernel: kernel.6.cloned.1.call-start
scs
__scs_entry_jumppad:
0x0: {  	(pc) =	sbr.rel $0x88, $3  }
0x1: {  	(tag) =	ssettag $0x0;
	lr =	simm.s32 $0x1  }
0x2: {  	[smem:$0x3F94] =	sst lr;
	_ =	strace $0xD0000000  }
0x3: {  	_ = 	snop  }
0x4: {  	_ = 	snop  }
0x5: {  	_ = 	snop  }
0x6: {  	_ = 	snop  }
0x7: {  	_ = 	snop  }
__scs_overlays_trampoline_lowered:
0x8: {  	[smem:$0x3FA3] =	sst s0  }
0x9: {  	[smem:$0x3FA4] =	sst s1  }
0xa: {  	[smem:$0x3FA5] =	sst s2  }
0xb: {  	[smem:$0x3FA6] =	sst s3  }
0xc: {  	[smem:$0x3FA7] =	sst s4  }
0xd: {  	[smem:$0x3FA8] =	sst s5  }
0xe: {  	[smem:$0x3FA9] =	sst s6  }
0xf: {  	[smem:$0x3FAA] =	sst s7  }
0x10: {  	[smem:$0x3FAB] =	sst s8  }
0x11: {  	[smem:$0x3FAC] =	sst s9;
	s0 =	simm.s32 @!p0 $0x0  }
0x12: {  	s1 =	sld [smem:$0x3F92];
	s0 =	simm.s32 @p0 $0x1  }
0x13: {  	[smem:$0x3FAD] =	sst s0;
	s0 =	simm.s32 @!p1 $0x0  }
0x14: {  	s2 =	sld [smem:$0x3F91];
	s0 =	simm.s32 @p1 $0x1  }
0x15: {  	[smem:$0x3FAE] =	sst s0;
	s0 =	simm.s32 @!p2 $0x0  }
0x16: {  	s3 =	sld [smem:$0x3FDB];
	s0 =	simm.s32 @p2 $0x1  }
0x17: {  	s4 =	simm.s32 $0x1BF5;
	[smem:$0x3FB0] =	sst s0  }
0x18: {  	s0 =	sld [smem:$0x3F93];
	_ =	swait.ge [sflag:s4], $0x0  }
0x19: {  	s7 =	sld [smem:$0x3F94]  }
0x1a: {  	s8 =	sadd.s32 $0xFFFFE003, lr  }
0x1b: {  	s9 =	sadd.s32 $0xFFFFFEF7, lr;
	s5 =	simm.s32 $0xFFFFFFFF;
	p2 =	slt.u32 s8, $0xFFFFF086  }
0x1c: {  	p1 =	slt.u32 s9, $0xF7A;
	s5 =	simm.s32 @!p2 $0x0  }
0x1d: {  	s5 =	simm.s32 @p1 $0x1;
	p0 =	seq.s32 s7, s2  }
0x1e: {  	s7 =	smul.u32 @!p0 $0xF7A, s2;
	p2 =	seq.s32 @!p0 s5, $0x0  }
0x1f: {  	s9 =	smul.u32 $0xF7A, s1;
	s8 =	simm.s32 @!p0 $0x1BF5;
	p2 =	por !p2, p0  }
0x20: {  	[sflag:s8] =	ssyncset.s32 @!p0 $0xFFFFF086;
	s6 =	sadd.s32 @!p0 s3, s7;
	s7 =	simm.s32 @!p0 $0x108  }
0x21: {  	s3 =	sadd.s32 s3, s9;
	s6 =	sadd.s32 @!p0 $0x88, s6;
	s7 =	simm.s32 @p2 $0x1082  }
0x22: {  	[simem:s7], [sflag:s8] =	dma.local @!p0 [hbm:s6], $0xF7A  }
0x23: {  	s9 =	sor.u32 $0xD0000000, s2;
	s6 =	simm.s32 $0x108;
	_ =	swait.ge @!p0 [sflag:s8], $0x0  }
0x24: {  	s3 =	sadd.s32 $0x88, s3;
	s6 =	simm.s32 @!p1 $0x1082;
	[sflag:s4] =	ssyncset.s32 $0xFFFFF086  }
0x25: {  	[simem:s6], [sflag:s4] =	dma.local [hbm:s3], $0xF7A  }
0x26: {  	[smem:$0x3F94] =	sst s1;
	(tag) =	ssettag s2;
	_ =	strace s9  }
0x27: {  	s1 =	sld [smem:$0x3FA4]  }
0x28: {  	s2 =	sld [smem:$0x3FA5]  }
0x29: {  	s4 =	sld [smem:$0x3FA7]  }
0x2a: {  	p0 =	seq.s32 s5, $0x0;
	s5 =	sld [smem:$0x3FA8]  }
0x2b: {  	s6 =	sld [smem:$0x3FA9]  }
0x2c: {  	s7 =	sld [smem:$0x3FAA]  }
0x2d: {  	s3 =	simm.s32 $0x108;
	s8 =	sld [smem:$0x3FAB]  }
0x2e: {  	s3 =	simm.s32 @!p0 $0x1082;
	s9 =	sld [smem:$0x3FAC]  }
0x2f: {  	lr =	sadd.s32 s0, s3;
	s0 =	sld [smem:$0x3FA3]  }
0x30: {  	s3 =	sld [smem:$0x3FA6]  }
0x31: {  	[smem:$0x3FAF] =	sst s10  }
0x32: {  	s10 =	sld [smem:$0x3FAD];
	_ =	sdelay $0x3  }
0x33: {  	p0 =	seq.s32 s10, $0x1;
	s10 =	sld [smem:$0x3FAF];
	_ =	sdelay $0x3  }
0x34: {  	[smem:$0x3FAF] =	sst s10  }
0x35: {  	s10 =	sld [smem:$0x3FAE];
	_ =	sdelay $0x3  }
0x36: {  	p1 =	seq.s32 s10, $0x1;
	s10 =	sld [smem:$0x3FAF];
	_ =	sdelay $0x3  }
0x37: {  	[smem:$0x3FAF] =	sst s10  }
0x38: {  	s10 =	sld [smem:$0x3FB0]  }
0x39: {  	_ = 	snop;
	(pc) =	sbr.ind lr, $3  }
0x3a: {  	_ = 	snop  }
0x3b: {  	_ = 	snop  }
0x3c: {  	p2 =	seq.s32 s10, $0x1;
	s10 =	sld [smem:$0x3FAF]  }
0x3d: {  	_ =	shalt  }
0x3e: {  	_ =	shalt  }
0x3f: {  	_ =	shalt  }
0x40: {  	_ =	shalt  }
0x41: {  	_ =	shalt  }
0x42: {  	_ =	shalt  }
0x43: {  	_ =	shalt  }
0x44: {  	_ =	shalt  }
0x45: {  	_ =	shalt  }
0x46: {  	_ =	shalt  }
0x47: {  	_ =	shalt  }
0x48: {  	_ =	shalt  }
0x49: {  	_ =	shalt  }
0x4a: {  	_ =	shalt  }
0x4b: {  	_ =	shalt  }
0x4c: {  	_ =	shalt  }
0x4d: {  	_ =	shalt  }
0x4e: {  	_ =	shalt  }
0x4f: {  	_ =	shalt  }
0x50: {  	_ =	shalt  }
0x51: {  	_ =	shalt  }
0x52: {  	_ =	shalt  }
0x53: {  	_ =	shalt  }
0x54: {  	_ =	shalt  }
0x55: {  	_ =	shalt  }
0x56: {  	_ =	shalt  }
0x57: {  	_ =	shalt  }
0x58: {  	_ =	shalt  }
0x59: {  	_ =	shalt  }
0x5a: {  	_ =	shalt  }
0x5b: {  	_ =	shalt  }
0x5c: {  	_ =	shalt  }
0x5d: {  	_ =	shalt  }
0x5e: {  	_ =	shalt  }
0x5f: {  	_ =	shalt  }
0x60: {  	_ =	shalt  }
0x61: {  	_ =	shalt  }
0x62: {  	_ =	shalt  }
0x63: {  	_ =	shalt  }
0x64: {  	_ =	shalt  }
0x65: {  	_ =	shalt  }
0x66: {  	_ =	shalt  }
0x67: {  	_ =	shalt  }
0x68: {  	_ =	shalt  }
0x69: {  	_ =	shalt  }
0x6a: {  	_ =	shalt  }
0x6b: {  	_ =	shalt  }
0x6c: {  	_ =	shalt  }
0x6d: {  	_ =	shalt  }
0x6e: {  	_ =	shalt  }
0x6f: {  	_ =	shalt  }
0x70: {  	_ =	shalt  }
0x71: {  	_ =	shalt  }
0x72: {  	_ =	shalt  }
0x73: {  	_ =	shalt  }
0x74: {  	_ =	shalt  }
0x75: {  	_ =	shalt  }
0x76: {  	_ =	shalt  }
0x77: {  	_ =	shalt  }
0x78: {  	_ =	shalt  }
0x79: {  	_ =	shalt  }
0x7a: {  	_ =	shalt  }
0x7b: {  	_ =	shalt  }
0x7c: {  	_ =	shalt  }
0x7d: {  	_ =	shalt  }
0x7e: {  	_ =	shalt  }
0x7f: {  	_ =	shalt  }
0x80: {  	_ =	shalt  }
0x81: {  	_ =	shalt  }
0x82: {  	_ =	shalt  }
0x83: {  	_ =	shalt  }
0x84: {  	_ =	shalt  }
0x85: {  	_ =	shalt  }
0x86: {  	_ =	shalt  }
0x87: {  	_ =	shalt  }
.Lfunc_end0:
.L_simem_size_0:
called_computation_lowered:
.L_overlay_start_0:
0x88: {  	s2 =	sld [smem:$0x3FD9]  }
0x89: {  	s3 =	sld [smem:$0x3FFE];
	_ =	sdelay $0x1  }
0x8a: {  	s1 =	srdreg.scid  }
0x8b: {  	s0 =	sand.u32 $0x1, s1  }
0x8c: {  	s14 =	sshll.u32 s0, $0xA;
	s2 =	sadd.s32 s3, s2  }
0x8d: {  	s2 =	sadd.s32 s2, s14  }
0x8e: {  	[smem:$0x3FBB] =	sst s2  }
0x8f: {  	_ = 	snop  }
0x90: {  	s2 =	sld [smem:$0x3FD0];
	_ =	sdelay $0x2  }
0x91: {  	s4 =	simm.s32 $0xA;
	s5 =	simm.s32 $0x10;
	s15 =	sld [smem:$0x3FBD]  }
0x92: {  	[smem:s5], [sflag:s4] =	dma.local [hbm:s2], $0x1  }
0x93: {  	_ =	swait.eq [sflag:s4], $0x1  }
0x94: {  	[sflag:s4] =	ssyncset.done $0x0  }
0x95: {  	[sflag:s4] =	ssyncadd.s32 $0xFFFFFFFF  }
0x96: {  	s16 =	sld [smem:$0x10];
	(tm) =	ssettm $0x1  }
0x97: {  	s17 =	sld [smem:$0x3FFB];
	_ =	sdelay $0x3  }
0x98: {  	_ =	strace s17  }
0x99: {  	s4 =	sld [smem:$0x3FFC];
	_ =	sdelay $0x3  }
0x9a: {  	_ =	strace s4  }
0x9b: {  	s4 =	sld [smem:$0x3FFD];
	_ =	sdelay $0x3  }
0x9c: {  	_ =	strace s4  }
0x9d: {  	_ =	strace $0x8FFFFFFF  }
0x9e: {  	s18 =	sld [smem:$0x3FDB];
	_ =	sdelay $0x1  }
0x9f: {  	s19 =	simm.s32 $_scs_section_size  }
0xa0: {  	s6 =	simm.s32 $_size__tile_overlayer_lowered;
	s7 =	simm.s32 $_tile_overlayer_lowered  }
0xa1: {  	s22 =	simm.s32 $0x1BFF;
	s21 =	sshll.u32 s7, $0x1;
	s4 =	sadd.s32 s19, s18  }
0xa2: {  	s8 =	simm.s32 $0x0;
	s20 =	sshll.u32 s6, $0x1;
	s6 =	sadd.s32 s21, s4  }
0xa3: {  	[timem:s8], [sflag:s22] =	dma.local [hbm:s6], s20  }
0xa4: {  	_ =	swait.ge [sflag:s22], s20  }
0xa5: {  	s5 =	ssub.s32 $0x0, s20;
	[sflag:s22] =	ssyncset.done $0x0  }
0xa6: {  	[sflag:s22] =	ssyncadd.s32 s5;
	_ =	sdelay $0x1  }
0xa7: {  	s23 =	simm.s32 $0x1B8B  }
0xa8: {  	_ =	swait.ge [sflag:s23], $0x1  }
0xa9: {  	[sflag:s23] =	ssyncset.done $0x0  }
0xaa: {  	s25 =	simm.s32 $0x1B8E;
	s24 =	sld [smem:$0x3FFE];
	[sflag:s23] =	ssyncadd.s32 $0xFFFFFFFF  }
0xab: {  	s26 =	simm.s32 $execute0_lowered;
	[smem:$0x3FD2] =	sst s25  }
0xac: {  	s6 =	sshll.u32 s26, $0x1;
	_ =	strace $0x80000046;
	[dreg:$0x1] =	wrdreg $0xFFFFFFFF  }
0xad: {  	s28 =	simm.s32 $_size_execute0_lowered;
	s4 =	sadd.s32 s4, s6;
	[dreg:$0x0] =	wrdreg $0x0  }
0xae: {  	s6 =	sshll.u32 s28, $0x1;
	[dreg:$0x2] =	wrdreg s4  }
0xaf: {  	[dreg:$0x3] =	wrdreg s6  }
0xb0: {  	[dreg:$0x4] =	wrdreg $0xC0  }
0xb1: {  	_ =	task [dreg:s8], $0x5FFFF  }
0xb2: {  	[dreg:$0x1] =	wrdreg $0xFFFFFFFF  }
0xb3: {  	[dreg:$0x0] =	wrdreg $0x60  }
0xb4: {  	[dreg:$0x2] =	wrdreg s15  }
0xb5: {  	[dreg:$0x3] =	wrdreg s16  }
0xb6: {  	[dreg:$0x4] =	wrdreg s24  }
0xb7: {  	[dreg:$0x5] =	wrdreg $0x9  }
0xb8: {  	_ =	task.clear_ibuf [dreg:s8], $0x6FFFF;
	_ =	strace $0x90000046  }
0xb9: {  	s29 =	simm.s32 $0x9;
	_ =	strace $0x80000048  }
0xba: {  	_ =	swait.ge [sflag:s29], $0x1  }
0xbb: {  	[sflag:s29] =	ssyncadd.s32 $0xFFFFFFFF  }
0xbc: {  	_ =	strace $0x90000048  }
0xbd: {  	_ =	sfence  }
0xbe: {  	s30 =	sld [smem:$0x0];
	_ =	sdelay $0x2  }
0xbf: {  	s31 =	sshll.u32 s1, $0xD;
	s1 =	sshrl.u32 s1, $0x2  }
0xc0: {  	s3 =	sand.u32 $0x4000, s31;
	s1 =	sadd.s32 s1, s30  }
0xc1: {  	s0 =	sor.u32 s3, s0;
	s1 =	sshll.u32 s1, $0x11  }
0xc2: {  	s0 =	sor.u32 s1, s0  }
0xc3: {  	s0 =	sadd.s32 $0x8F2B, s0  }
0xc4: {  	[sflag:s0] =	ssyncadd.remote.s32 $0x1  }
0xc5: {  	_ =	sfence.sel $0xFFFF  }
0xc6: {  	[dreg:$0x0] =	wrdreg $0xFFFFFFFF;
	(pc) =	sbr.abs _section_cstart, $3  }
0xc7: {  	[dreg:$0x1] =	wrdreg $0xFFFFFFFF  }
0xc8: {  	_ =	task.clear_ibuf [dreg:s8], $0x2FFFF;
	_ =	strace $0x9FFFFFFF  }
0xc9: {  	(tm) =	ssettm $0x7FFFFFFF  }
tec
execute0_lowered:
.L_overlay_start_1:
0x0: {  	(tag) =	ssettag $0x1  }
0x1: {  	s1 =	stileid.u32  }
0x2: {  	p0 =	sgt.u32 s1, $0x7  }
.Ltmp0:
0x3: {  	s8 =	rddreg [dreg:$0x0];
	(pc) =	sbr.rel @p0 .LBB2_8-.Ltmp0, $4  }
0x4: {  	s0 =	rddreg [dreg:$0x1]  }
0x5: {  	s4 =	rddreg [dreg:$0x2];
	s2 =	simm.s32 $0x0  }
0x6: {  	[smem:$0x7FF] =	sst s2  }
0x7: {  	s3 =	rddreg [dreg:$0x3];
	_ =	strace $0x80000047  }
0x8: {  	s1 =	sadd.s32 $0x100, s8  }
0x9: {  	s13 =	sadd.s32 $0x200, s8;
	[dreg:$0x4] =	wrdreg s1  }
0xa: {  	s14 =	sadd.s32 $0x300, s8;
	[dreg:$0x5] =	wrdreg s13  }
0xb: {  	s15 =	sadd.s32 $0x400, s8;
	[dreg:$0x6] =	wrdreg s14  }
0xc: {  	s16 =	sadd.s32 $0x500, s8;
	[dreg:$0x7] =	wrdreg s15  }
0xd: {  	s17 =	sadd.s32 $0x600, s8;
	[dreg:$0x8] =	wrdreg s16  }
0xe: {  	s18 =	sadd.s32 $0x700, s8;
	[dreg:$0x9] =	wrdreg s17  }
0xf: {  	s19 =	sadd.s32 $0x800, s8;
	[dreg:$0xa] =	wrdreg s18  }
0x10: {  	s20 =	sadd.s32 $0x900, s8;
	[dreg:$0xb] =	wrdreg s19  }
0x11: {  	s21 =	sadd.s32 $0xA00, s8;
	[dreg:$0xc] =	wrdreg s20  }
0x12: {  	s22 =	sadd.s32 $0xB00, s8;
	[dreg:$0xd] =	wrdreg s21  }
0x13: {  	s23 =	sadd.s32 $0xC00, s8;
	[dreg:$0xe] =	wrdreg s22  }
0x14: {  	s24 =	sadd.s32 $0xD00, s8;
	[dreg:$0xf] =	wrdreg s23  }
0x15: {  	s25 =	sadd.s32 $0xE00, s8;
	[dreg:$0x10] =	wrdreg s24  }
0x16: {  	s26 =	sadd.s32 $0xF00, s8;
	[dreg:$0x11] =	wrdreg s25  }
0x17: {  	s5 =	sadd.s32 $0x1000, s8;
	[dreg:$0x12] =	wrdreg s26  }
0x18: {  	s6 =	sadd.s32 $0x1100, s8;
	s7 =	sadd.s32 $0x1200, s8;
	[dreg:$0x13] =	wrdreg s5  }
0x19: {  	s9 =	sadd.s32 $0x1300, s8;
	s10 =	sadd.s32 $0x1400, s8;
	[dreg:$0x14] =	wrdreg s6  }
0x1a: {  	s11 =	sadd.s32 $0x1500, s8;
	s12 =	sadd.s32 $0x1600, s8;
	[dreg:$0x15] =	wrdreg s7  }
0x1b: {  	s31 =	simm.s32 $0x1080;
	s30 =	simm.s32 $0x1880;
	[dreg:$0x16] =	wrdreg s9  }
0x1c: {  	s29 =	simm.s32 $0x2080;
	s28 =	simm.s32 $0x2880;
	[dreg:$0x17] =	wrdreg s10  }
0x1d: {  	p0 =	por $0x0, $0x0;
	s5 =	srdreg.scid;
	[dreg:$0x18] =	wrdreg s11  }
0x1e: {  	s6 =	stileid.u32;
	[dreg:$0x19] =	wrdreg s12;
	s13 =	sadd.s32 $0x1700, s8  }
0x1f: {  	s14 =	sadd.s32 $0x1800, s8;
	s26 =	simm.s32 $0x3080;
	s25 =	simm.s32 $0x3880  }
0x20: {  	s24 =	simm.s32 $0x4080;
	s23 =	simm.s32 $0x4880;
	s22 =	simm.s32 $0x5080  }
0x21: {  	s21 =	simm.s32 $0x5880;
	s20 =	simm.s32 $0x6080;
	s19 =	simm.s32 $0x6880  }
0x22: {  	s12 =	simm.s32 $0x9080;
	s5 =	sand.u32 $0x1, s5;
	s6 =	sshll.u32 s6, $0x1  }
0x23: {  	s11 =	simm.s32 $0x9880;
	s6 =	sor.u32 s5, s6;
	s5 =	ssub.s32 $0x2, s5  }
0x24: {  	s9 =	simm.s32 $0xA080;
	s10 =	simm.s32 $0xA880;
	s16 =	sshrl.u32 s5, $0x1  }
0x25: {  	s8 =	simm.s32 $0xB080;
	[dreg:$0x1a] =	wrdreg s13;
	s17 =	ssub.s32 s5, s16  }
0x26: {  	[dreg:$0x1b] =	wrdreg s14;
	s14 =	simm.s32 $0x8880;
	s18 =	smax.u32 s17, $0x1  }
0x27: {  	s13 =	simm.s32 $0x1;
	s7 =	smul.u32 $0x1880, s6;
	p1 =	sne.s32 s18, $0x1  }
.Ltmp1:
0x28: {  	s0 =	sadd.s32 s0, s6;
	s6 =	simm.s32 $0x880;
	(pc) =	sbr.rel @!p1 .LBB2_2-.Ltmp1, $4  }
0x29: {  	[dreg:$0x1d] =	wrdreg s0;
	s5 =	simm.s32 $0x80;
	s16 =	simm.s32 $0x7880  }
0x2a: {  	v0 =	vlaneseq.u32;
	s15 =	sadd.s32 s4, s7;
	s4 =	simm.s32 $0x2;
	s1 =	rddreg [dreg:$0x1d]  }
0x2b: {  	vm0 =	vmmov $0xff;
	v1 =	vshrl.u32 v0, $0x3;
	s17 =	simm.s32 $0x7080;
	s7 =	simm.s32 $0xB880;
	[dreg:$0x1c] =	wrdreg s15  }
0x2c: {  	vm1 =	vmmov $0xffff;
	v0 =	vand.u32 $0x7, v0;
	v1 =	vmul.u32 $0x8, v1;
	s15 =	simm.s32 $0x8080;
	s0 =	sadd.s32 $0xFFFFFFFF, s18;
	s18 =	simm.s32 $0xC080  }
0x2d: {  	[tilespmem:s2], [sflag:$0x2] =	stream.linear.gather [hbm4b:s1+s2], $0x8, $0x38;
	[tilespmem:$0xC480] =	vst v63  }
0x2e: {  	_ =	swait.ge [sflag:s4], $0x8  }
0x2f: {  	[sflag:s4] =	ssyncset.done $0x0  }
0x30: {  	[sflag:s4] =	ssyncadd.s32 $0xFFFFFFF8  }
0x31: {  	v2 =	vld.msk [tilespmem:$0x0], $0xff;
	_ =	sdelay $0x4  }
0x32: {  	v3 =	vshrl.u32 v2, $0x3  }
0x33: {  	v3 =	vmul.u32 $0x188, v3  }
0x34: {  	v2 =	vand.u32 $0x7, v2  }
0x35: {  	v2 =	vor.u32 v2, v3  }
0x36: {  	v2 =	vperm.xlane v2, v0;
	_ =	sdelay $0x1  }
0x37: {  	v2 =	vadd.s32 v1, v2;
	_ =	sdelay $0x3  }
0x38: {  	s3 =	smov.u32 s0;
	s0 =	rddreg [dreg:$0x0]  }
0x39: {  	[tilespmem:s5], [sflag:$0x1] =	stream.indirect_vreg.gather [hbm4b:s0+s2], $0x80, v2, vm1, $0xb8;
	[tilespmem:$0xC480] =	vst v63  }
0x3a: {  	s1 =	rddreg [dreg:$0x4]  }
0x3b: {  	[tilespmem:s6], [sflag:$0x1] =	stream.indirect_vreg.gather [hbm4b:s1+s2], $0x80, v2, vm1, $0xb8;
	[tilespmem:$0xC480] =	vst v63  }
0x3c: {  	s0 =	rddreg [dreg:$0x5]  }
0x3d: {  	[tilespmem:s31], [sflag:$0x1] =	stream.indirect_vreg.gather [hbm4b:s0+s2], $0x80, v2, vm1, $0xb8;
	[tilespmem:$0xC480] =	vst v63  }
0x3e: {  	s1 =	rddreg [dreg:$0x6]  }
0x3f: {  	[tilespmem:s30], [sflag:$0x1] =	stream.indirect_vreg.gather [hbm4b:s1+s2], $0x80, v2, vm1, $0xb8;
	[tilespmem:$0xC480] =	vst v63  }
0x40: {  	s0 =	rddreg [dreg:$0x7]  }
0x41: {  	[tilespmem:s29], [sflag:$0x1] =	stream.indirect_vreg.gather [hbm4b:s0+s2], $0x80, v2, vm1, $0xb8;
	[tilespmem:$0xC480] =	vst v63  }
0x42: {  	s1 =	rddreg [dreg:$0x8]  }
0x43: {  	[tilespmem:s28], [sflag:$0x1] =	stream.indirect_vreg.gather [hbm4b:s1+s2], $0x80, v2, vm1, $0xb8;
	[tilespmem:$0xC480] =	vst v63  }
0x44: {  	s0 =	rddreg [dreg:$0x9]  }
0x45: {  	[tilespmem:s26], [sflag:$0x1] =	stream.indirect_vreg.gather [hbm4b:s0+s2], $0x80, v2, vm1, $0xb8;
	[tilespmem:$0xC480] =	vst v63  }
0x46: {  	s1 =	rddreg [dreg:$0xa]  }
0x47: {  	[tilespmem:s25], [sflag:$0x1] =	stream.indirect_vreg.gather [hbm4b:s1+s2], $0x80, v2, vm1, $0xb8;
	[tilespmem:$0xC480] =	vst v63  }
0x48: {  	s0 =	rddreg [dreg:$0xb]  }
0x49: {  	[tilespmem:s24], [sflag:$0x1] =	stream.indirect_vreg.gather [hbm4b:s0+s2], $0x80, v2, vm1, $0xb8;
	[tilespmem:$0xC480] =	vst v63  }
0x4a: {  	s1 =	rddreg [dreg:$0xc]  }
0x4b: {  	[tilespmem:s23], [sflag:$0x1] =	stream.indirect_vreg.gather [hbm4b:s1+s2], $0x80, v2, vm1, $0xb8;
	[tilespmem:$0xC480] =	vst v63  }
0x4c: {  	s0 =	rddreg [dreg:$0xd]  }
0x4d: {  	[tilespmem:s22], [sflag:$0x1] =	stream.indirect_vreg.gather [hbm4b:s0+s2], $0x80, v2, vm1, $0xb8;
	[tilespmem:$0xC480] =	vst v63  }
0x4e: {  	s1 =	rddreg [dreg:$0xe]  }
0x4f: {  	[tilespmem:s21], [sflag:$0x1] =	stream.indirect_vreg.gather [hbm4b:s1+s2], $0x80, v2, vm1, $0xb8;
	[tilespmem:$0xC480] =	vst v63  }
0x50: {  	s0 =	rddreg [dreg:$0xf]  }
0x51: {  	[tilespmem:s20], [sflag:$0x1] =	stream.indirect_vreg.gather [hbm4b:s0+s2], $0x80, v2, vm1, $0xb8;
	[tilespmem:$0xC480] =	vst v63  }
0x52: {  	s1 =	rddreg [dreg:$0x10]  }
0x53: {  	[tilespmem:s19], [sflag:$0x1] =	stream.indirect_vreg.gather [hbm4b:s1+s2], $0x80, v2, vm1, $0xb8;
	[tilespmem:$0xC480] =	vst v63  }
0x54: {  	s0 =	rddreg [dreg:$0x11]  }
0x55: {  	[tilespmem:s17], [sflag:$0x1] =	stream.indirect_vreg.gather [hbm4b:s0+s2], $0x80, v2, vm1, $0xb8;
	[tilespmem:$0xC480] =	vst v63  }
0x56: {  	s1 =	rddreg [dreg:$0x12]  }
0x57: {  	[tilespmem:s16], [sflag:$0x1] =	stream.indirect_vreg.gather [hbm4b:s1+s2], $0x80, v2, vm1, $0xb8;
	[tilespmem:$0xC480] =	vst v63  }
0x58: {  	s0 =	rddreg [dreg:$0x13]  }
0x59: {  	[tilespmem:s15], [sflag:$0x1] =	stream.indirect_vreg.gather [hbm4b:s0+s2], $0x80, v2, vm1, $0xb8;
	[tilespmem:$0xC480] =	vst v63  }
0x5a: {  	s1 =	rddreg [dreg:$0x14]  }
0x5b: {  	[tilespmem:s14], [sflag:$0x1] =	stream.indirect_vreg.gather [hbm4b:s1+s2], $0x80, v2, vm1, $0xb8;
	[tilespmem:$0xC480] =	vst v63  }
0x5c: {  	s0 =	rddreg [dreg:$0x15]  }
0x5d: {  	[tilespmem:s12], [sflag:$0x1] =	stream.indirect_vreg.gather [hbm4b:s0+s2], $0x80, v2, vm1, $0xb8;
	[tilespmem:$0xC480] =	vst v63  }
0x5e: {  	s1 =	rddreg [dreg:$0x16]  }
0x5f: {  	[tilespmem:s11], [sflag:$0x1] =	stream.indirect_vreg.gather [hbm4b:s1+s2], $0x80, v2, vm1, $0xb8;
	[tilespmem:$0xC480] =	vst v63  }
0x60: {  	s0 =	rddreg [dreg:$0x17]  }
0x61: {  	[tilespmem:s9], [sflag:$0x1] =	stream.indirect_vreg.gather [hbm4b:s0+s2], $0x80, v2, vm1, $0xb8;
	[tilespmem:$0xC480] =	vst v63  }
0x62: {  	s1 =	rddreg [dreg:$0x18]  }
0x63: {  	[tilespmem:s10], [sflag:$0x1] =	stream.indirect_vreg.gather [hbm4b:s1+s2], $0x80, v2, vm1, $0xb8;
	[tilespmem:$0xC480] =	vst v63  }
0x64: {  	s0 =	rddreg [dreg:$0x19]  }
0x65: {  	[tilespmem:s8], [sflag:$0x1] =	stream.indirect_vreg.gather [hbm4b:s0+s2], $0x80, v2, vm1, $0xb8;
	[tilespmem:$0xC480] =	vst v63  }
0x66: {  	s1 =	rddreg [dreg:$0x1a]  }
0x67: {  	[tilespmem:s7], [sflag:$0x1] =	stream.indirect_vreg.gather [hbm4b:s1+s2], $0x80, v2, vm1, $0xb8;
	[tilespmem:$0xC480] =	vst v63  }
0x68: {  	s0 =	rddreg [dreg:$0x1b]  }
0x69: {  	[tilespmem:s18], [sflag:$0x1] =	stream.indirect_vreg.gather [hbm4b:s0+s2], $0x80, v2, vm0, $0xb8;
	[tilespmem:$0xC480] =	vst v63  }
0x6a: {  	p1 =	sne.s32 s3, $0x1;
	_ =	swait.ge [sflag:s13], $0xC400  }
.Ltmp2:
0x6b: {  	[sflag:s13] =	ssyncset.done $0x0;
	(pc) =	sbr.rel @!p1 .LBB2_4-.Ltmp2, $4  }
0x6c: {  	s1 =	rddreg [dreg:$0x1c];
	[sflag:s13] =	ssyncadd.s32 $0xFFFF3C00  }
0x6d: {  	[hbm4b:s1+s2] =	stream.linear.scatter [tilespmem:s5], [sflag:$0x2], $0xC400, $0x38;
	[tilespmem:$0xC480] =	vst v63  }
0x6e: {  	p0 =	por $0x1, $0x1;
	_ =	swait.ge [sflag:s4], $0xC400  }
0x6f: {  	s0 =	sadd.s32 $0xFFFFFFFF, s3;
	s1 =	rddreg [dreg:$0x1d];
	[sflag:s4] =	ssyncset.done $0x0  }
.LBB2_5:
0x70: {  	[sflag:s4] =	ssyncadd.s32 $0xFFFF3C00  }
0x71: {  	[tilespmem:s2], [sflag:$0x2] =	stream.linear.gather [hbm4b:s1+s2], $0x8, $0x38;
	[tilespmem:$0xC480] =	vst v63  }
0x72: {  	_ =	swait.ge [sflag:s4], $0x8  }
0x73: {  	[sflag:s4] =	ssyncset.done $0x0  }
0x74: {  	[sflag:s4] =	ssyncadd.s32 $0xFFFFFFF8  }
0x75: {  	v2 =	vld.msk [tilespmem:$0x0], $0xff;
	_ =	sdelay $0x4  }
0x76: {  	v3 =	vshrl.u32 v2, $0x3  }
0x77: {  	v3 =	vmul.u32 $0x188, v3  }
0x78: {  	v2 =	vand.u32 $0x7, v2  }
0x79: {  	v2 =	vor.u32 v2, v3  }
0x7a: {  	v2 =	vperm.xlane v2, v0;
	_ =	sdelay $0x1  }
0x7b: {  	v2 =	vadd.s32 v1, v2;
	_ =	sdelay $0x3  }
0x7c: {  	s3 =	rddreg [dreg:$0x0]  }
0x7d: {  	[tilespmem:s5], [sflag:$0x1] =	stream.indirect_vreg.gather [hbm4b:s3+s2], $0x80, v2, vm1, $0xb8;
	[tilespmem:$0xC480] =	vst v63  }
0x7e: {  	s1 =	rddreg [dreg:$0x4]  }
0x7f: {  	[tilespmem:s6], [sflag:$0x1] =	stream.indirect_vreg.gather [hbm4b:s1+s2], $0x80, v2, vm1, $0xb8;
	[tilespmem:$0xC480] =	vst v63  }
0x80: {  	s3 =	rddreg [dreg:$0x5]  }
0x81: {  	[tilespmem:s31], [sflag:$0x1] =	stream.indirect_vreg.gather [hbm4b:s3+s2], $0x80, v2, vm1, $0xb8;
	[tilespmem:$0xC480] =	vst v63  }
0x82: {  	s1 =	rddreg [dreg:$0x6]  }
0x83: {  	[tilespmem:s30], [sflag:$0x1] =	stream.indirect_vreg.gather [hbm4b:s1+s2], $0x80, v2, vm1, $0xb8;
	[tilespmem:$0xC480] =	vst v63  }
0x84: {  	s3 =	rddreg [dreg:$0x7]  }
0x85: {  	[tilespmem:s29], [sflag:$0x1] =	stream.indirect_vreg.gather [hbm4b:s3+s2], $0x80, v2, vm1, $0xb8;
	[tilespmem:$0xC480] =	vst v63  }
0x86: {  	s1 =	rddreg [dreg:$0x8]  }
0x87: {  	[tilespmem:s28], [sflag:$0x1] =	stream.indirect_vreg.gather [hbm4b:s1+s2], $0x80, v2, vm1, $0xb8;
	[tilespmem:$0xC480] =	vst v63  }
0x88: {  	s3 =	rddreg [dreg:$0x9]  }
0x89: {  	[tilespmem:s26], [sflag:$0x1] =	stream.indirect_vreg.gather [hbm4b:s3+s2], $0x80, v2, vm1, $0xb8;
	[tilespmem:$0xC480] =	vst v63  }
0x8a: {  	s1 =	rddreg [dreg:$0xa]  }
0x8b: {  	[tilespmem:s25], [sflag:$0x1] =	stream.indirect_vreg.gather [hbm4b:s1+s2], $0x80, v2, vm1, $0xb8;
	[tilespmem:$0xC480] =	vst v63  }
0x8c: {  	s3 =	rddreg [dreg:$0xb]  }
0x8d: {  	[tilespmem:s24], [sflag:$0x1] =	stream.indirect_vreg.gather [hbm4b:s3+s2], $0x80, v2, vm1, $0xb8;
	[tilespmem:$0xC480] =	vst v63  }
0x8e: {  	s1 =	rddreg [dreg:$0xc]  }
0x8f: {  	[tilespmem:s23], [sflag:$0x1] =	stream.indirect_vreg.gather [hbm4b:s1+s2], $0x80, v2, vm1, $0xb8;
	[tilespmem:$0xC480] =	vst v63  }
0x90: {  	s3 =	rddreg [dreg:$0xd]  }
0x91: {  	[tilespmem:s22], [sflag:$0x1] =	stream.indirect_vreg.gather [hbm4b:s3+s2], $0x80, v2, vm1, $0xb8;
	[tilespmem:$0xC480] =	vst v63  }
0x92: {  	s1 =	rddreg [dreg:$0xe]  }
0x93: {  	[tilespmem:s21], [sflag:$0x1] =	stream.indirect_vreg.gather [hbm4b:s1+s2], $0x80, v2, vm1, $0xb8;
	[tilespmem:$0xC480] =	vst v63  }
0x94: {  	s3 =	rddreg [dreg:$0xf]  }
0x95: {  	[tilespmem:s20], [sflag:$0x1] =	stream.indirect_vreg.gather [hbm4b:s3+s2], $0x80, v2, vm1, $0xb8;
	[tilespmem:$0xC480] =	vst v63  }
0x96: {  	s1 =	rddreg [dreg:$0x10]  }
0x97: {  	[tilespmem:s19], [sflag:$0x1] =	stream.indirect_vreg.gather [hbm4b:s1+s2], $0x80, v2, vm1, $0xb8;
	[tilespmem:$0xC480] =	vst v63  }
0x98: {  	s3 =	rddreg [dreg:$0x11]  }
0x99: {  	[tilespmem:s17], [sflag:$0x1] =	stream.indirect_vreg.gather [hbm4b:s3+s2], $0x80, v2, vm1, $0xb8;
	[tilespmem:$0xC480] =	vst v63  }
0x9a: {  	s1 =	rddreg [dreg:$0x12]  }
0x9b: {  	[tilespmem:s16], [sflag:$0x1] =	stream.indirect_vreg.gather [hbm4b:s1+s2], $0x80, v2, vm1, $0xb8;
	[tilespmem:$0xC480] =	vst v63  }
0x9c: {  	s3 =	rddreg [dreg:$0x13]  }
0x9d: {  	[tilespmem:s15], [sflag:$0x1] =	stream.indirect_vreg.gather [hbm4b:s3+s2], $0x80, v2, vm1, $0xb8;
	[tilespmem:$0xC480] =	vst v63  }
0x9e: {  	s1 =	rddreg [dreg:$0x14]  }
0x9f: {  	[tilespmem:s14], [sflag:$0x1] =	stream.indirect_vreg.gather [hbm4b:s1+s2], $0x80, v2, vm1, $0xb8;
	[tilespmem:$0xC480] =	vst v63  }
0xa0: {  	s3 =	rddreg [dreg:$0x15]  }
0xa1: {  	[tilespmem:s12], [sflag:$0x1] =	stream.indirect_vreg.gather [hbm4b:s3+s2], $0x80, v2, vm1, $0xb8;
	[tilespmem:$0xC480] =	vst v63  }
0xa2: {  	s1 =	rddreg [dreg:$0x16]  }
0xa3: {  	[tilespmem:s11], [sflag:$0x1] =	stream.indirect_vreg.gather [hbm4b:s1+s2], $0x80, v2, vm1, $0xb8;
	[tilespmem:$0xC480] =	vst v63  }
0xa4: {  	s3 =	rddreg [dreg:$0x17]  }
0xa5: {  	[tilespmem:s9], [sflag:$0x1] =	stream.indirect_vreg.gather [hbm4b:s3+s2], $0x80, v2, vm1, $0xb8;
	[tilespmem:$0xC480] =	vst v63  }
0xa6: {  	s1 =	rddreg [dreg:$0x18]  }
0xa7: {  	[tilespmem:s10], [sflag:$0x1] =	stream.indirect_vreg.gather [hbm4b:s1+s2], $0x80, v2, vm1, $0xb8;
	[tilespmem:$0xC480] =	vst v63  }
0xa8: {  	s3 =	rddreg [dreg:$0x19]  }
0xa9: {  	[tilespmem:s8], [sflag:$0x1] =	stream.indirect_vreg.gather [hbm4b:s3+s2], $0x80, v2, vm1, $0xb8;
	[tilespmem:$0xC480] =	vst v63  }
0xaa: {  	s1 =	rddreg [dreg:$0x1a]  }
0xab: {  	[tilespmem:s7], [sflag:$0x1] =	stream.indirect_vreg.gather [hbm4b:s1+s2], $0x80, v2, vm1, $0xb8;
	[tilespmem:$0xC480] =	vst v63  }
0xac: {  	s3 =	rddreg [dreg:$0x1b]  }
0xad: {  	[tilespmem:s18], [sflag:$0x1] =	stream.indirect_vreg.gather [hbm4b:s3+s2], $0x80, v2, vm0, $0xb8;
	[tilespmem:$0xC480] =	vst v63  }
0xae: {  	p1 =	sne.s32 s0, $0x1;
	_ =	swait.ge [sflag:s13], $0xC400  }
.Ltmp3:
0xaf: {  	[sflag:s13] =	ssyncset.done $0x0;
	(pc) =	sbr.rel @p1 .LBB2_5-.Ltmp3, $4  }
0xb0: {  	s3 =	rddreg [dreg:$0x1c];
	[sflag:s13] =	ssyncadd.s32 $0xFFFF3C00  }
0xb1: {  	[hbm4b:s3+s2] =	stream.linear.scatter [tilespmem:s5], [sflag:$0x2], $0xC400, $0x38;
	[tilespmem:$0xC480] =	vst v63  }
0xb2: {  	_ =	swait.ge [sflag:s4], $0xC400  }
0xb3: {  	s0 =	sadd.s32 $0xFFFFFFFF, s0;
	s1 =	rddreg [dreg:$0x1d];
	[sflag:s4] =	ssyncset.done $0x0  }
0xb4: {  	s18 =	simm.s32 $0x880  }
0xb5: {  	s31 =	simm.s32 $0x1080;
	s30 =	simm.s32 $0x1880;
	s29 =	simm.s32 $0x2080  }
0xb6: {  	s28 =	simm.s32 $0x2880;
	s26 =	simm.s32 $0x3080;
	s25 =	simm.s32 $0x3880  }
0xb7: {  	s24 =	simm.s32 $0x4080;
	s23 =	simm.s32 $0x4880;
	s22 =	simm.s32 $0x5080  }
0xb8: {  	s21 =	simm.s32 $0x5880;
	s20 =	simm.s32 $0x6080;
	s19 =	simm.s32 $0x6880  }
0xb9: {  	s17 =	simm.s32 $0x7080;
	s16 =	simm.s32 $0x7880;
	s15 =	simm.s32 $0x8080  }
0xba: {  	s14 =	simm.s32 $0x8880;
	s12 =	simm.s32 $0x9080;
	s11 =	simm.s32 $0x9880  }
0xbb: {  	s10 =	simm.s32 $0xA880;
	s9 =	simm.s32 $0xA080;
	s6 =	rddreg [dreg:$0x0]  }
0xbc: {  	s8 =	simm.s32 $0xB080;
	s7 =	simm.s32 $0xB880;
	s3 =	rddreg [dreg:$0x3]  }
.LBB2_7:
0xbd: {  	[sflag:s4] =	ssyncadd.s32 @p0 $0xFFFF3C00  }
0xbe: {  	[tilespmem:s2], [sflag:$0x2] =	stream.linear.gather [hbm4b:s1+s2], $0x8, $0x38;
	[tilespmem:$0xC480] =	vst v63  }
0xbf: {  	_ =	swait.ge [sflag:s4], $0x8  }
0xc0: {  	[sflag:s4] =	ssyncset.done $0x0  }
0xc1: {  	[sflag:s4] =	ssyncadd.s32 $0xFFFFFFF8  }
0xc2: {  	v2 =	vld.msk [tilespmem:$0x0], $0xff;
	_ =	sdelay $0x4  }
0xc3: {  	v3 =	vshrl.u32 v2, $0x3  }
0xc4: {  	v3 =	vmul.u32 $0x188, v3  }
0xc5: {  	v2 =	vand.u32 $0x7, v2  }
0xc6: {  	v2 =	vor.u32 v2, v3  }
0xc7: {  	v0 =	vperm.xlane v2, v0;
	_ =	sdelay $0x1  }
0xc8: {  	v0 =	vadd.s32 v1, v0;
	_ =	sdelay $0x4  }
0xc9: {  	[tilespmem:s5], [sflag:$0x1] =	stream.indirect_vreg.gather [hbm4b:s6+s2], $0x80, v0, vm1, $0xb8;
	[tilespmem:$0xC480] =	vst v63  }
0xca: {  	s0 =	rddreg [dreg:$0x4]  }
0xcb: {  	[tilespmem:s18], [sflag:$0x1] =	stream.indirect_vreg.gather [hbm4b:s0+s2], $0x80, v0, vm1, $0xb8;
	[tilespmem:$0xC480] =	vst v63  }
0xcc: {  	s1 =	rddreg [dreg:$0x5]  }
0xcd: {  	[tilespmem:s31], [sflag:$0x1] =	stream.indirect_vreg.gather [hbm4b:s1+s2], $0x80, v0, vm1, $0xb8;
	[tilespmem:$0xC480] =	vst v63  }
0xce: {  	s6 =	rddreg [dreg:$0x6]  }
0xcf: {  	[tilespmem:s30], [sflag:$0x1] =	stream.indirect_vreg.gather [hbm4b:s6+s2], $0x80, v0, vm1, $0xb8;
	[tilespmem:$0xC480] =	vst v63  }
0xd0: {  	s18 =	rddreg [dreg:$0x7]  }
0xd1: {  	[tilespmem:s29], [sflag:$0x1] =	stream.indirect_vreg.gather [hbm4b:s18+s2], $0x80, v0, vm1, $0xb8;
	[tilespmem:$0xC480] =	vst v63  }
0xd2: {  	s31 =	rddreg [dreg:$0x8]  }
0xd3: {  	[tilespmem:s28], [sflag:$0x1] =	stream.indirect_vreg.gather [hbm4b:s31+s2], $0x80, v0, vm1, $0xb8;
	[tilespmem:$0xC480] =	vst v63  }
0xd4: {  	s6 =	rddreg [dreg:$0x9]  }
0xd5: {  	[tilespmem:s26], [sflag:$0x1] =	stream.indirect_vreg.gather [hbm4b:s6+s2], $0x80, v0, vm1, $0xb8;
	[tilespmem:$0xC480] =	vst v63  }
0xd6: {  	s18 =	rddreg [dreg:$0xa]  }
0xd7: {  	[tilespmem:s25], [sflag:$0x1] =	stream.indirect_vreg.gather [hbm4b:s18+s2], $0x80, v0, vm1, $0xb8;
	[tilespmem:$0xC480] =	vst v63  }
0xd8: {  	s26 =	rddreg [dreg:$0xb]  }
0xd9: {  	[tilespmem:s24], [sflag:$0x1] =	stream.indirect_vreg.gather [hbm4b:s26+s2], $0x80, v0, vm1, $0xb8;
	[tilespmem:$0xC480] =	vst v63  }
0xda: {  	s28 =	rddreg [dreg:$0xc]  }
0xdb: {  	[tilespmem:s23], [sflag:$0x1] =	stream.indirect_vreg.gather [hbm4b:s28+s2], $0x80, v0, vm1, $0xb8;
	[tilespmem:$0xC480] =	vst v63  }
0xdc: {  	s29 =	rddreg [dreg:$0xd]  }
0xdd: {  	[tilespmem:s22], [sflag:$0x1] =	stream.indirect_vreg.gather [hbm4b:s29+s2], $0x80, v0, vm1, $0xb8;
	[tilespmem:$0xC480] =	vst v63  }
0xde: {  	s30 =	rddreg [dreg:$0xe]  }
0xdf: {  	[tilespmem:s21], [sflag:$0x1] =	stream.indirect_vreg.gather [hbm4b:s30+s2], $0x80, v0, vm1, $0xb8;
	[tilespmem:$0xC480] =	vst v63  }
0xe0: {  	s31 =	rddreg [dreg:$0xf]  }
0xe1: {  	[tilespmem:s20], [sflag:$0x1] =	stream.indirect_vreg.gather [hbm4b:s31+s2], $0x80, v0, vm1, $0xb8;
	[tilespmem:$0xC480] =	vst v63  }
0xe2: {  	s6 =	rddreg [dreg:$0x10]  }
0xe3: {  	[tilespmem:s19], [sflag:$0x1] =	stream.indirect_vreg.gather [hbm4b:s6+s2], $0x80, v0, vm1, $0xb8;
	[tilespmem:$0xC480] =	vst v63  }
0xe4: {  	s18 =	rddreg [dreg:$0x11]  }
0xe5: {  	[tilespmem:s17], [sflag:$0x1] =	stream.indirect_vreg.gather [hbm4b:s18+s2], $0x80, v0, vm1, $0xb8;
	[tilespmem:$0xC480] =	vst v63  }
0xe6: {  	s19 =	rddreg [dreg:$0x12]  }
0xe7: {  	[tilespmem:s16], [sflag:$0x1] =	stream.indirect_vreg.gather [hbm4b:s19+s2], $0x80, v0, vm1, $0xb8;
	[tilespmem:$0xC480] =	vst v63  }
0xe8: {  	s20 =	rddreg [dreg:$0x13]  }
0xe9: {  	[tilespmem:s15], [sflag:$0x1] =	stream.indirect_vreg.gather [hbm4b:s20+s2], $0x80, v0, vm1, $0xb8;
	[tilespmem:$0xC480] =	vst v63  }
0xea: {  	s21 =	rddreg [dreg:$0x14]  }
0xeb: {  	[tilespmem:s14], [sflag:$0x1] =	stream.indirect_vreg.gather [hbm4b:s21+s2], $0x80, v0, vm1, $0xb8;
	[tilespmem:$0xC480] =	vst v63  }
0xec: {  	s22 =	rddreg [dreg:$0x15]  }
0xed: {  	[tilespmem:s12], [sflag:$0x1] =	stream.indirect_vreg.gather [hbm4b:s22+s2], $0x80, v0, vm1, $0xb8;
	[tilespmem:$0xC480] =	vst v63  }
0xee: {  	s23 =	rddreg [dreg:$0x16]  }
0xef: {  	[tilespmem:s11], [sflag:$0x1] =	stream.indirect_vreg.gather [hbm4b:s23+s2], $0x80, v0, vm1, $0xb8;
	[tilespmem:$0xC480] =	vst v63  }
0xf0: {  	s24 =	rddreg [dreg:$0x17]  }
0xf1: {  	[tilespmem:s9], [sflag:$0x1] =	stream.indirect_vreg.gather [hbm4b:s24+s2], $0x80, v0, vm1, $0xb8;
	[tilespmem:$0xC480] =	vst v63  }
0xf2: {  	s25 =	rddreg [dreg:$0x18]  }
0xf3: {  	[tilespmem:s10], [sflag:$0x1] =	stream.indirect_vreg.gather [hbm4b:s25+s2], $0x80, v0, vm1, $0xb8;
	[tilespmem:$0xC480] =	vst v63  }
0xf4: {  	s26 =	rddreg [dreg:$0x19]  }
0xf5: {  	[tilespmem:s8], [sflag:$0x1] =	stream.indirect_vreg.gather [hbm4b:s26+s2], $0x80, v0, vm1, $0xb8;
	[tilespmem:$0xC480] =	vst v63  }
0xf6: {  	s28 =	rddreg [dreg:$0x1a]  }
0xf7: {  	[tilespmem:s7], [sflag:$0x1] =	stream.indirect_vreg.gather [hbm4b:s28+s2], $0x80, v0, vm1, $0xb8;
	[tilespmem:$0xC480] =	vst v63  }
0xf8: {  	s29 =	rddreg [dreg:$0x1b];
	s30 =	simm.s32 $0xC080  }
0xf9: {  	[tilespmem:s30], [sflag:$0x1] =	stream.indirect_vreg.gather [hbm4b:s29+s2], $0x80, v0, vm0, $0xb8;
	[tilespmem:$0xC480] =	vst v63  }
0xfa: {  	_ =	swait.ge [sflag:s13], $0xC400  }
0xfb: {  	[sflag:s13] =	ssyncset.done $0x0  }
0xfc: {  	s31 =	rddreg [dreg:$0x1c];
	[sflag:s13] =	ssyncadd.s32 $0xFFFF3C00  }
0xfd: {  	[hbm4b:s31+s2] =	stream.linear.scatter [tilespmem:s5], [sflag:$0x2], $0xC400, $0x38;
	[tilespmem:$0xC480] =	vst v63  }
0xfe: {  	_ =	swait.ge [sflag:s4], $0xC400  }
0xff: {  	[sflag:s4] =	ssyncset.done $0x0  }
0x100: {  	s1 =	stileid.u32;
	[sflag:s4] =	ssyncadd.s32 $0xFFFF3C00  }
.LBB2_8:
0x101: {  	_ =	sfence.sel $0x180000  }
0x102: {  	[bflag:$0x0] =	sbarrier.arrive $0xFFFF  }
0x103: {  	p0 =	sne.s32 s1, $0x0;
	_ =	strace $0x90000047  }
0x104: {  	s0 =	sadd.s32 @!p0 $0x100000, s3;
	[bflag:$0x2] =	sbarrier.arrive $0xFFFF  }
0x105: {  	[sflag:s0] =	ssyncadd.tile.s32 @!p0 $0x1;
	_ =	shalt  }
.LBB2_2:
0x106: {  	s18 =	simm.s32 $0x880  }
0x107: {  	s31 =	simm.s32 $0x1080;
	s30 =	simm.s32 $0x1880;
	s29 =	simm.s32 $0x2080  }
0x108: {  	s28 =	simm.s32 $0x2880;
	s26 =	simm.s32 $0x3080;
	s25 =	simm.s32 $0x3880  }
0x109: {  	s24 =	simm.s32 $0x4080;
	s23 =	simm.s32 $0x4880;
	s22 =	simm.s32 $0x5080  }
.Ltmp4:
0x10a: {  	s21 =	simm.s32 $0x5880;
	s20 =	simm.s32 $0x6080;
	(pc) =	sbr.rel .LBB2_7-.Ltmp4, $4  }
0x10b: {  	s19 =	simm.s32 $0x6880;
	s17 =	simm.s32 $0x7080;
	s16 =	simm.s32 $0x7880  }
0x10c: {  	s15 =	simm.s32 $0x8080;
	s14 =	simm.s32 $0x8880;
	s12 =	simm.s32 $0x9080  }
0x10d: {  	s11 =	simm.s32 $0x9880;
	s10 =	simm.s32 $0xA880;
	s9 =	simm.s32 $0xA080  }
0x10e: {  	s8 =	simm.s32 $0xB080;
	s7 =	simm.s32 $0xB880;
	s6 =	rddreg [dreg:$0x0]  }
.LBB2_4:
0x10f: {  	s18 =	simm.s32 $0x880;
	s31 =	simm.s32 $0x1080  }
0x110: {  	s30 =	simm.s32 $0x1880;
	s29 =	simm.s32 $0x2080;
	s28 =	simm.s32 $0x2880  }
0x111: {  	s26 =	simm.s32 $0x3080;
	s25 =	simm.s32 $0x3880;
	s24 =	simm.s32 $0x4080  }
0x112: {  	s23 =	simm.s32 $0x4880;
	s22 =	simm.s32 $0x5080;
	s21 =	simm.s32 $0x5880  }
.Ltmp5:
0x113: {  	s20 =	simm.s32 $0x6080;
	s19 =	simm.s32 $0x6880;
	(pc) =	sbr.rel .LBB2_7-.Ltmp5, $4  }
0x114: {  	s17 =	simm.s32 $0x7080;
	s16 =	simm.s32 $0x7880;
	s15 =	simm.s32 $0x8080  }
0x115: {  	s14 =	simm.s32 $0x8880;
	s12 =	simm.s32 $0x9080;
	s11 =	simm.s32 $0x9880  }
0x116: {  	s10 =	simm.s32 $0xA880;
	s9 =	simm.s32 $0xA080;
	s6 =	rddreg [dreg:$0x0]  }
0x117: {  	s8 =	simm.s32 $0xB080;
	s7 =	simm.s32 $0xB880;
	s3 =	rddreg [dreg:$0x3]  }
.Lfunc_end2:
_tile_overlayer_lowered:
.L_overlay_start_2:
0x118: {  	(tag) =	ssettag $0x2  }
0x119: {  	s0 =	rddreg [dreg:$0x0];
	s2 =	stileid.u32  }
0x11a: {  	s1 =	rddreg [dreg:$0x1];
	p0 =	sne.s32 s2, $0x0  }
0x11b: {  	s3 =	rddreg [dreg:$0x2];
	[bflag:$0x3] =	sbarrier.arrive $0xFFFF;
	s2 =	simm.s32 @!p0 $0x1C02  }
0x11c: {  	[timem:s3], [sflag:s2] =	dma.local @!p0 [hbm:s0], s1  }
0x11d: {  	s0 =	simm.s32 @!p0 $0x2  }
0x11e: {  	_ =	swait.ge @!p0 [sflag:s0], s1  }
0x11f: {  	s1 =	ssub.s32 @!p0 $0x0, s1;
	[sflag:s0] =	ssyncset.done @!p0 $0x0  }
0x120: {  	[sflag:s0] =	ssyncadd.s32 @!p0 s1  }
0x121: {  	[bflag:$0x3] =	sbarrier.arrive $0xFFFF  }
0x122: {  	_ =	shalt  }

</sc_bundles>
